<compile_context>
chip_gen: v7x
topology: tpu7x:2x2x1
jax: 0.10.2.dev20260603
libtpu: 0.0.44.dev20260713+nightly
codegen_flags: <defaults>
</compile_context>

<pallas_src>
import math

import jax
import jax.numpy as jnp
from jax import lax
from jax.experimental import pallas as pl
from jax.experimental.pallas import tpu as pltpu
from jax.experimental.pallas import tpu_sc as plsc

_SCALE = 32.0
_MARGIN = 0.5
_COS_M = math.cos(_MARGIN)
_SIN_M = math.sin(_MARGIN)

_B = 1024
_C = 100000
_BC = 1024
_NCB = -(-_C // _BC)

_NC = 2
_NS = 16
_L = 16
_NW = _NC * _NS
_BPW = _B // _NW


def _sc_gather_body(cos_hbm, tgt_hbm, ct_hbm, tgt_v, buf_v, sem):
    wid = lax.axis_index("s") * _NC + lax.axis_index("c")
    base = pl.multiple_of(wid * _BPW, _BPW)
    pltpu.sync_copy(tgt_hbm.at[pl.ds(base, _BPW)], tgt_v)
    copies = []
    for g in range(_BPW // _L):
        t16 = tgt_v[pl.ds(g * _L, _L)]
        for k in range(_L):
            r = g * _L + k
            a = pl.multiple_of((t16[k] >> 4) << 4, _L)
            cp = pltpu.make_async_copy(
                cos_hbm.at[base + r, pl.ds(a, _L)], buf_v.at[r], sem)
            cp.start()
            copies.append(cp)
    for cp in copies:
        cp.wait()
    pltpu.sync_copy(buf_v, ct_hbm.at[pl.ds(base, _BPW)])


def _sc_gather_ct(cosine_fea2cen, targets):
    mesh = plsc.VectorSubcoreMesh(core_axis_name="c", subcore_axis_name="s")
    return pl.kernel(
        _sc_gather_body,
        out_type=jax.ShapeDtypeStruct((_B, _L), jnp.float32),
        mesh=mesh,
        scratch_types=[
            pltpu.VMEM((_BPW,), jnp.int32),
            pltpu.VMEM((_BPW, _L), jnp.float32),
            pltpu.SemaphoreType.DMA,
        ],
    )(cosine_fea2cen, targets)


def _phi32(c_t):
    sine = jnp.sqrt(jnp.maximum(1.0 - c_t * c_t, 1e-7))
    return (c_t * _COS_M - sine * _SIN_M) * _SCALE


def _tc_body(cos_ref, tgt_ref, ct_ref, out_ref, loss_ref, acc_ref, phi_ref):
    j = pl.program_id(0)

    @pl.when(j == 0)
    def _init():
        acc_ref[...] = jnp.zeros_like(acc_ref)
        lane = tgt_ref[...] & (_L - 1)
        i16 = lax.broadcasted_iota(jnp.int32, (_B, _L), 1)
        ct = jnp.sum(jnp.where(i16 == lane, ct_ref[...], 0.0),
                     axis=1, keepdims=True)
        phi_ref[...] = _phi32(ct)

    x = cos_ref[...]
    tloc = tgt_ref[...] - _BC * j
    col = lax.broadcasted_iota(jnp.int32, (_B, _BC), 1)
    is_t = col == tloc

    y = jnp.where(is_t, phi_ref[...], x * _SCALE)
    out_ref[...] = y

    e = jnp.exp(y - _SCALE)

    def _strip_sum(v):
        a = v[:, 0:128]
        for k in range(1, _BC // 128):
            a = a + v[:, k * 128:(k + 1) * 128]
        return a

    @pl.when(j < _NCB - 1)
    def _acc_full():
        acc_ref[...] += _strip_sum(e)

    @pl.when(j == _NCB - 1)
    def _acc_last():
        acc_ref[...] += _strip_sum(jnp.where(col < _C - _BC * j, e, 0.0))

    @pl.when(j == _NCB - 1)
    def _fin():
        s = jnp.sum(acc_ref[...], axis=1, keepdims=True)
        nll = _SCALE + jnp.log(s) - phi_ref[...]
        loss_ref[...] = jnp.mean(nll).reshape(1, 1)


def kernel(cosine_fea2cen, targets):
    ct_buf = _sc_gather_ct(cosine_fea2cen, targets)
    tgt2d = targets.reshape(_B, 1)
    out, loss = pl.pallas_call(
        _tc_body,
        grid=(_NCB,),
        in_specs=[
            pl.BlockSpec((_B, _BC), lambda j: (0, j)),
            pl.BlockSpec((_B, 1), lambda j: (0, 0)),
            pl.BlockSpec((_B, _L), lambda j: (0, 0)),
        ],
        out_specs=[
            pl.BlockSpec((_B, _BC), lambda j: (0, j)),
            pl.BlockSpec((1, 1), lambda j: (0, 0)),
        ],
        out_shape=[
            jax.ShapeDtypeStruct((_B, _C), jnp.float32),
            jax.ShapeDtypeStruct((1, 1), jnp.float32),
        ],
        scratch_shapes=[
            pltpu.VMEM((_B, 128), jnp.float32),
            pltpu.VMEM((_B, 1), jnp.float32),
        ],
        compiler_params=pltpu.CompilerParams(
            dimension_semantics=("arbitrary",),
        ),
    )(cosine_fea2cen, tgt2d, ct_buf)
    return (loss[0, 0], out)

# --- scband reference (transcript-rebuilt; emitter-appended) ---
"""Pipeline reference for scband-arc-face-loss-1795296330288 (READ-ONLY COPY).

The authoritative reference and input builder live on the scoring server;
editing this copy changes nothing except your own understanding.
"""

import jax, jax.numpy as jnp
import numpy as np
import math

SCALING = 32.0
M = 0.5
B = 1024
C = 100000


def setup_inputs(seed: int = 0) -> dict:
    key = jax.random.key(seed)
    k1, k2 = jax.random.split(key)
    cosine_fea2cen = jax.random.uniform(k1, (B, C), dtype=jnp.float32)
    targets = jax.random.randint(k2, (B,), 0, C, dtype=jnp.int32)
    return {"cosine_fea2cen": cosine_fea2cen, "targets": targets}


def reference(cosine_fea2cen, targets):
    cos_m = math.cos(M)
    sin_m = math.sin(M)
    th = math.cos(math.pi - M)
    mm = math.sin(math.pi - M) * M

    cosine = jnp.clip(cosine_fea2cen, -1.0, 1.0)
    sine = jnp.sqrt(jnp.maximum(1.0 - jnp.power(cosine, 2), jnp.ones_like(cosine) * 1e-07))
    phi = cosine * cos_m - sine * sin_m
    phi = jnp.where(cosine - th > 0, phi, cosine - mm)

    one_hot = jnp.zeros_like(cosine).at[jnp.arange(cosine.shape[0]), targets].set(1.0)
    output = (one_hot * phi + (1.0 - one_hot) * cosine) * SCALING

    # cross entropy (mean reduction, matching nn.CrossEntropyLoss)
    logp = jax.nn.log_softmax(output, axis=-1)
    nll = -jnp.take_along_axis(logp, targets[:, None], axis=1)[:, 0]
    loss = jnp.mean(nll)
    return (loss, output)

if __name__ == "__main__":
    import jax
    _d = setup_inputs()
    print(jax.jit(kernel)(*tuple(_d.values())))

</pallas_src>

<mosaic_0001>
#map = affine_map<(d0, d1) -> (0, 0)>
#map1 = affine_map<(d0, d1) -> (0)>
module attributes {stable_mosaic.version = 14 : i64} {
  func.func @_sc_gather_body(%arg0: i32, %arg1: i32, %arg2: memref<1024x100000xf32, #tpu.memory_space<hbm>>, %arg3: memref<1024xi32, #tpu.memory_space<hbm>>, %arg4: memref<1024x16xf32, #tpu.memory_space<hbm>>, %arg5: memref<32xi32, #tpu.memory_space<vmem>>, %arg6: memref<32x16xf32, #tpu.memory_space<vmem>>, %arg7: memref<!tpu.dma_semaphore, #tpu.memory_space<semaphore_mem>>) attributes {dimension_semantics = [#tpu.dimension_semantics<core_parallel>, #tpu.dimension_semantics<subcore_parallel>], iteration_bounds = array<i64: 2, 16>, scalar_prefetch = 0 : i64, scratch_operands = 3 : i64, tpu.core_type = #tpu.core_type<sc_vector_subcore>, window_params = [{transform_indices = #map}, {transform_indices = #map1}, {transform_indices = #map}]} {
    %mul3A = arith.constant 2 : i32
    %mul3A_0 = arith.muli %arg1, %mul3A : i32
    %add3A = arith.addi %mul3A_0, %arg0 : i32
    %mul3A_1 = arith.constant 32 : i32
    %mul3A_2 = arith.muli %add3A, %mul3A_1 : i32
    %multiple_of3A = tpu.assume_multiple %mul3A_2, 32 : i32
    "tpu.region"() ({
      %run_scoped3A = tpu.sem_alloc : memref<!tpu.dma_semaphore, #tpu.memory_space<semaphore_mem>>
      %dma_start3A_994 = tpu.memref_slice %arg3[%multiple_of3A] : memref<1024xi32, #tpu.memory_space<hbm>> -> memref<32xi32, #tpu.memory_space<hbm>>
      %dma_start3A_995 = tpu.memref_slice %arg3[%multiple_of3A] : memref<1024xi32, #tpu.memory_space<hbm>> -> memref<32xi32, #tpu.memory_space<hbm>>
      tpu.enqueue_dma source(%dma_start3A_995 : memref<32xi32, #tpu.memory_space<hbm>>) target(%arg5 : memref<32xi32, #tpu.memory_space<vmem>>) target_semaphore(%run_scoped3A : memref<!tpu.dma_semaphore, #tpu.memory_space<semaphore_mem>>)
      %dma_wait3A_996 = tpu.memref_slice %arg3[%multiple_of3A] : memref<1024xi32, #tpu.memory_space<hbm>> -> memref<32xi32, #tpu.memory_space<hbm>>
      %dma_wait3A_997 = tpu.memref_slice %arg3[%multiple_of3A] : memref<1024xi32, #tpu.memory_space<hbm>> -> memref<32xi32, #tpu.memory_space<hbm>>
      tpu.wait_dma2 semaphore(%run_scoped3A : memref<!tpu.dma_semaphore, #tpu.memory_space<semaphore_mem>>) src(%dma_wait3A_997 : memref<32xi32, #tpu.memory_space<hbm>>) dst(%arg5 : memref<32xi32, #tpu.memory_space<vmem>>)
      tpu.yield
    }) : () -> ()
    %get3A = arith.constant 0 : index
    %get3A_3 = tpu.vector_load %arg5[%get3A] {strides = array<i32>} : memref<32xi32, #tpu.memory_space<vmem>>, vector<16xi32>,
    %get3A_4 = vector.shape_cast %get3A_3 : vector<16xi32> to vector<16xi32>
    %slice3A = vector.extract_strided_slice %get3A_4 {offsets = [0], sizes = [1], strides = [1]} : vector<16xi32> to vector<1xi32>
    %squeeze3A = vector.extract %slice3A[0] : i32 from vector<1xi32>
    %shift_right_arithmetic3A = arith.constant 4 : i32
    %shift_right_arithmetic3A_5 = arith.shrsi %squeeze3A, %shift_right_arithmetic3A : i32
    %shift_left3A = arith.constant 4 : i32
    %shift_left3A_6 = arith.shli %shift_right_arithmetic3A_5, %shift_left3A : i32
    %multiple_of3A_7 = tpu.assume_multiple %shift_left3A_6, 16 : i32
    %add3A_8 = arith.constant 0 : i32
    %add3A_9 = arith.addi %multiple_of3A, %add3A_8 : i32
    %dma_start3A = arith.constant 0 : i32
    %dma_start3A_10 = arith.constant 0 : i32
    %dma_start3A_11 = tpu.memref_slice %arg6[%dma_start3A, %dma_start3A_10] : memref<32x16xf32, #tpu.memory_space<vmem>> -> memref<1x16xf32, #tpu.memory_space<vmem>>
    %dma_start3A_12 = tpu.memref_squeeze %dma_start3A_11 : memref<1x16xf32, #tpu.memory_space<vmem>> -> memref<16xf32, #tpu.memory_space<vmem>>
    %dma_start3A_13 = tpu.memref_slice %arg2[%add3A_9, %multiple_of3A_7] : memref<1024x100000xf32, #tpu.memory_space<hbm>> -> memref<1x16xf32, #tpu.memory_space<hbm>>
    %dma_start3A_14 = tpu.memref_squeeze %dma_start3A_13 : memref<1x16xf32, #tpu.memory_space<hbm>> -> memref<16xf32, #tpu.memory_space<hbm>>
    %dma_start3A_15 = arith.constant 0 : i32
    %dma_start3A_16 = tpu.memref_slice %arg6[%dma_start3A, %dma_start3A_15] : memref<32x16xf32, #tpu.memory_space<vmem>> -> memref<1x16xf32, #tpu.memory_space<vmem>>
    %dma_start3A_17 = tpu.memref_squeeze %dma_start3A_16 : memref<1x16xf32, #tpu.memory_space<vmem>> -> memref<16xf32, #tpu.memory_space<vmem>>
    %dma_start3A_18 = tpu.memref_slice %arg2[%add3A_9, %multiple_of3A_7] : memref<1024x100000xf32, #tpu.memory_space<hbm>> -> memref<1x16xf32, #tpu.memory_space<hbm>>
    %dma_start3A_19 = tpu.memref_squeeze %dma_start3A_18 : memref<1x16xf32, #tpu.memory_space<hbm>> -> memref<16xf32, #tpu.memory_space<hbm>>
    tpu.enqueue_dma source(%dma_start3A_19 : memref<16xf32, #tpu.memory_space<hbm>>) target(%dma_start3A_17 : memref<16xf32, #tpu.memory_space<vmem>>) target_semaphore(%arg7 : memref<!tpu.dma_semaphore, #tpu.memory_space<semaphore_mem>>)
    %slice3A_20 = vector.extract_strided_slice %get3A_4 {offsets = [1], sizes = [1], strides = [1]} : vector<16xi32> to vector<1xi32>
    %squeeze3A_21 = vector.extract %slice3A_20[0] : i32 from vector<1xi32>
    %shift_right_arithmetic3A_22 = arith.constant 4 : i32
    %shift_right_arithmetic3A_23 = arith.shrsi %squeeze3A_21, %shift_right_arithmetic3A_22 : i32
    %shift_left3A_24 = arith.constant 4 : i32
    %shift_left3A_25 = arith.shli %shift_right_arithmetic3A_23, %shift_left3A_24 : i32
    %multiple_of3A_26 = tpu.assume_multiple %shift_left3A_25, 16 : i32
    %add3A_27 = arith.constant 1 : i32
    %add3A_28 = arith.addi %multiple_of3A, %add3A_27 : i32
    %dma_start3A_29 = arith.constant 1 : i32
    %dma_start3A_30 = arith.constant 0 : i32
    %dma_start3A_31 = tpu.memref_slice %arg6[%dma_start3A_29, %dma_start3A_30] : memref<32x16xf32, #tpu.memory_space<vmem>> -> memref<1x16xf32, #tpu.memory_space<vmem>>
    %dma_start3A_32 = tpu.memref_squeeze %dma_start3A_31 : memref<1x16xf32, #tpu.memory_space<vmem>> -> memref<16xf32, #tpu.memory_space<vmem>>
    %dma_start3A_33 = tpu.memref_slice %arg2[%add3A_28, %multiple_of3A_26] : memref<1024x100000xf32, #tpu.memory_space<hbm>> -> memref<1x16xf32, #tpu.memory_space<hbm>>
    %dma_start3A_34 = tpu.memref_squeeze %dma_start3A_33 : memref<1x16xf32, #tpu.memory_space<hbm>> -> memref<16xf32, #tpu.memory_space<hbm>>
    %dma_start3A_35 = arith.constant 0 : i32
    %dma_start3A_36 = tpu.memref_slice %arg6[%dma_start3A_29, %dma_start3A_35] : memref<32x16xf32, #tpu.memory_space<vmem>> -> memref<1x16xf32, #tpu.memory_space<vmem>>
    %dma_start3A_37 = tpu.memref_squeeze %dma_start3A_36 : memref<1x16xf32, #tpu.memory_space<vmem>> -> memref<16xf32, #tpu.memory_space<vmem>>
    %dma_start3A_38 = tpu.memref_slice %arg2[%add3A_28, %multiple_of3A_26] : memref<1024x100000xf32, #tpu.memory_space<hbm>> -> memref<1x16xf32, #tpu.memory_space<hbm>>
    %dma_start3A_39 = tpu.memref_squeeze %dma_start3A_38 : memref<1x16xf32, #tpu.memory_space<hbm>> -> memref<16xf32, #tpu.memory_space<hbm>>
    tpu.enqueue_dma source(%dma_start3A_39 : memref<16xf32, #tpu.memory_space<hbm>>) target(%dma_start3A_37 : memref<16xf32, #tpu.memory_space<vmem>>) target_semaphore(%arg7 : memref<!tpu.dma_semaphore, #tpu.memory_space<semaphore_mem>>)
    %slice3A_40 = vector.extract_strided_slice %get3A_4 {offsets = [2], sizes = [1], strides = [1]} : vector<16xi32> to vector<1xi32>
    %squeeze3A_41 = vector.extract %slice3A_40[0] : i32 from vector<1xi32>
    %shift_right_arithmetic3A_42 = arith.constant 4 : i32
    %shift_right_arithmetic3A_43 = arith.shrsi %squeeze3A_41, %shift_right_arithmetic3A_42 : i32
    %shift_left3A_44 = arith.constant 4 : i32
    %shift_left3A_45 = arith.shli %shift_right_arithmetic3A_43, %shift_left3A_44 : i32
    %multiple_of3A_46 = tpu.assume_multiple %shift_left3A_45, 16 : i32
    %add3A_47 = arith.constant 2 : i32
    %add3A_48 = arith.addi %multiple_of3A, %add3A_47 : i32
    %dma_start3A_49 = arith.constant 2 : i32
    %dma_start3A_50 = arith.constant 0 : i32
    %dma_start3A_51 = tpu.memref_slice %arg6[%dma_start3A_49, %dma_start3A_50] : memref<32x16xf32, #tpu.memory_space<vmem>> -> memref<1x16xf32, #tpu.memory_space<vmem>>
    %dma_start3A_52 = tpu.memref_squeeze %dma_start3A_51 : memref<1x16xf32, #tpu.memory_space<vmem>> -> memref<16xf32, #tpu.memory_space<vmem>>
    %dma_start3A_53 = tpu.memref_slice %arg2[%add3A_48, %multiple_of3A_46] : memref<1024x100000xf32, #tpu.memory_space<hbm>> -> memref<1x16xf32, #tpu.memory_space<hbm>>
    %dma_start3A_54 = tpu.memref_squeeze %dma_start3A_53 : memref<1x16xf32, #tpu.memory_space<hbm>> -> memref<16xf32, #tpu.memory_space<hbm>>
    %dma_start3A_55 = arith.constant 0 : i32
    %dma_start3A_56 = tpu.memref_slice %arg6[%dma_start3A_49, %dma_start3A_55] : memref<32x16xf32, #tpu.memory_space<vmem>> -> memref<1x16xf32, #tpu.memory_space<vmem>>
    %dma_start3A_57 = tpu.memref_squeeze %dma_start3A_56 : memref<1x16xf32, #tpu.memory_space<vmem>> -> memref<16xf32, #tpu.memory_space<vmem>>
    %dma_start3A_58 = tpu.memref_slice %arg2[%add3A_48, %multiple_of3A_46] : memref<1024x100000xf32, #tpu.memory_space<hbm>> -> memref<1x16xf32, #tpu.memory_space<hbm>>
    %dma_start3A_59 = tpu.memref_squeeze %dma_start3A_58 : memref<1x16xf32, #tpu.memory_space<hbm>> -> memref<16xf32, #tpu.memory_space<hbm>>
    tpu.enqueue_dma source(%dma_start3A_59 : memref<16xf32, #tpu.memory_space<hbm>>) target(%dma_start3A_57 : memref<16xf32, #tpu.memory_space<vmem>>) target_semaphore(%arg7 : memref<!tpu.dma_semaphore, #tpu.memory_space<semaphore_mem>>)
    %slice3A_60 = vector.extract_strided_slice %get3A_4 {offsets = [3], sizes = [1], strides = [1]} : vector<16xi32> to vector<1xi32>
    %squeeze3A_61 = vector.extract %slice3A_60[0] : i32 from vector<1xi32>
    %shift_right_arithmetic3A_62 = arith.constant 4 : i32
    %shift_right_arithmetic3A_63 = arith.shrsi %squeeze3A_61, %shift_right_arithmetic3A_62 : i32
    %shift_left3A_64 = arith.constant 4 : i32
    %shift_left3A_65 = arith.shli %shift_right_arithmetic3A_63, %shift_left3A_64 : i32
    %multiple_of3A_66 = tpu.assume_multiple %shift_left3A_65, 16 : i32
    %add3A_67 = arith.constant 3 : i32
    %add3A_68 = arith.addi %multiple_of3A, %add3A_67 : i32
    %dma_start3A_69 = arith.constant 3 : i32
    %dma_start3A_70 = arith.constant 0 : i32
    %dma_start3A_71 = tpu.memref_slice %arg6[%dma_start3A_69, %dma_start3A_70] : memref<32x16xf32, #tpu.memory_space<vmem>> -> memref<1x16xf32, #tpu.memory_space<vmem>>
    %dma_start3A_72 = tpu.memref_squeeze %dma_start3A_71 : memref<1x16xf32, #tpu.memory_space<vmem>> -> memref<16xf32, #tpu.memory_space<vmem>>
    %dma_start3A_73 = tpu.memref_slice %arg2[%add3A_68, %multiple_of3A_66] : memref<1024x100000xf32, #tpu.memory_space<hbm>> -> memref<1x16xf32, #tpu.memory_space<hbm>>
    %dma_start3A_74 = tpu.memref_squeeze %dma_start3A_73 : memref<1x16xf32, #tpu.memory_space<hbm>> -> memref<16xf32, #tpu.memory_space<hbm>>
    %dma_start3A_75 = arith.constant 0 : i32
    %dma_start3A_76 = tpu.memref_slice %arg6[%dma_start3A_69, %dma_start3A_75] : memref<32x16xf32, #tpu.memory_space<vmem>> -> memref<1x16xf32, #tpu.memory_space<vmem>>
    %dma_start3A_77 = tpu.memref_squeeze %dma_start3A_76 : memref<1x16xf32, #tpu.memory_space<vmem>> -> memref<16xf32, #tpu.memory_space<vmem>>
    %dma_start3A_78 = tpu.memref_slice %arg2[%add3A_68, %multiple_of3A_66] : memref<1024x100000xf32, #tpu.memory_space<hbm>> -> memref<1x16xf32, #tpu.memory_space<hbm>>
    %dma_start3A_79 = tpu.memref_squeeze %dma_start3A_78 : memref<1x16xf32, #tpu.memory_space<hbm>> -> memref<16xf32, #tpu.memory_space<hbm>>
    tpu.enqueue_dma source(%dma_start3A_79 : memref<16xf32, #tpu.memory_space<hbm>>) target(%dma_start3A_77 : memref<16xf32, #tpu.memory_space<vmem>>) target_semaphore(%arg7 : memref<!tpu.dma_semaphore, #tpu.memory_space<semaphore_mem>>)
    %slice3A_80 = vector.extract_strided_slice %get3A_4 {offsets = [4], sizes = [1], strides = [1]} : vector<16xi32> to vector<1xi32>
    %squeeze3A_81 = vector.extract %slice3A_80[0] : i32 from vector<1xi32>
    %shift_right_arithmetic3A_82 = arith.constant 4 : i32
    %shift_right_arithmetic3A_83 = arith.shrsi %squeeze3A_81, %shift_right_arithmetic3A_82 : i32
    %shift_left3A_84 = arith.constant 4 : i32
    %shift_left3A_85 = arith.shli %shift_right_arithmetic3A_83, %shift_left3A_84 : i32
    %multiple_of3A_86 = tpu.assume_multiple %shift_left3A_85, 16 : i32
    %add3A_87 = arith.constant 4 : i32
    %add3A_88 = arith.addi %multiple_of3A, %add3A_87 : i32
    %dma_start3A_89 = arith.constant 4 : i32
    %dma_start3A_90 = arith.constant 0 : i32
    %dma_start3A_91 = tpu.memref_slice %arg6[%dma_start3A_89, %dma_start3A_90] : memref<32x16xf32, #tpu.memory_space<vmem>> -> memref<1x16xf32, #tpu.memory_space<vmem>>
    %dma_start3A_92 = tpu.memref_squeeze %dma_start3A_91 : memref<1x16xf32, #tpu.memory_space<vmem>> -> memref<16xf32, #tpu.memory_space<vmem>>
    %dma_start3A_93 = tpu.memref_slice %arg2[%add3A_88, %multiple_of3A_86] : memref<1024x100000xf32, #tpu.memory_space<hbm>> -> memref<1x16xf32, #tpu.memory_space<hbm>>
    %dma_start3A_94 = tpu.memref_squeeze %dma_start3A_93 : memref<1x16xf32, #tpu.memory_space<hbm>> -> memref<16xf32, #tpu.memory_space<hbm>>
    %dma_start3A_95 = arith.constant 0 : i32
    %dma_start3A_96 = tpu.memref_slice %arg6[%dma_start3A_89, %dma_start3A_95] : memref<32x16xf32, #tpu.memory_space<vmem>> -> memref<1x16xf32, #tpu.memory_space<vmem>>
    %dma_start3A_97 = tpu.memref_squeeze %dma_start3A_96 : memref<1x16xf32, #tpu.memory_space<vmem>> -> memref<16xf32, #tpu.memory_space<vmem>>
    %dma_start3A_98 = tpu.memref_slice %arg2[%add3A_88, %multiple_of3A_86] : memref<1024x100000xf32, #tpu.memory_space<hbm>> -> memref<1x16xf32, #tpu.memory_space<hbm>>
    %dma_start3A_99 = tpu.memref_squeeze %dma_start3A_98 : memref<1x16xf32, #tpu.memory_space<hbm>> -> memref<16xf32, #tpu.memory_space<hbm>>
    tpu.enqueue_dma source(%dma_start3A_99 : memref<16xf32, #tpu.memory_space<hbm>>) target(%dma_start3A_97 : memref<16xf32, #tpu.memory_space<vmem>>) target_semaphore(%arg7 : memref<!tpu.dma_semaphore, #tpu.memory_space<semaphore_mem>>)
    %slice3A_100 = vector.extract_strided_slice %get3A_4 {offsets = [5], sizes = [1], strides = [1]} : vector<16xi32> to vector<1xi32>
    %squeeze3A_101 = vector.extract %slice3A_100[0] : i32 from vector<1xi32>
    %shift_right_arithmetic3A_102 = arith.constant 4 : i32
    %shift_right_arithmetic3A_103 = arith.shrsi %squeeze3A_101, %shift_right_arithmetic3A_102 : i32
    %shift_left3A_104 = arith.constant 4 : i32
    %shift_left3A_105 = arith.shli %shift_right_arithmetic3A_103, %shift_left3A_104 : i32
    %multiple_of3A_106 = tpu.assume_multiple %shift_left3A_105, 16 : i32
    %add3A_107 = arith.constant 5 : i32
    %add3A_108 = arith.addi %multiple_of3A, %add3A_107 : i32
    %dma_start3A_109 = arith.constant 5 : i32
    %dma_start3A_110 = arith.constant 0 : i32
    %dma_start3A_111 = tpu.memref_slice %arg6[%dma_start3A_109, %dma_start3A_110] : memref<32x16xf32, #tpu.memory_space<vmem>> -> memref<1x16xf32, #tpu.memory_space<vmem>>
    %dma_start3A_112 = tpu.memref_squeeze %dma_start3A_111 : memref<1x16xf32, #tpu.memory_space<vmem>> -> memref<16xf32, #tpu.memory_space<vmem>>
    %dma_start3A_113 = tpu.memref_slice %arg2[%add3A_108, %multiple_of3A_106] : memref<1024x100000xf32, #tpu.memory_space<hbm>> -> memref<1x16xf32, #tpu.memory_space<hbm>>
    %dma_start3A_114 = tpu.memref_squeeze %dma_start3A_113 : memref<1x16xf32, #tpu.memory_space<hbm>> -> memref<16xf32, #tpu.memory_space<hbm>>
    %dma_start3A_115 = arith.constant 0 : i32
    %dma_start3A_116 = tpu.memref_slice %arg6[%dma_start3A_109, %dma_start3A_115] : memref<32x16xf32, #tpu.memory_space<vmem>> -> memref<1x16xf32, #tpu.memory_space<vmem>>
    %dma_start3A_117 = tpu.memref_squeeze %dma_start3A_116 : memref<1x16xf32, #tpu.memory_space<vmem>> -> memref<16xf32, #tpu.memory_space<vmem>>
    %dma_start3A_118 = tpu.memref_slice %arg2[%add3A_108, %multiple_of3A_106] : memref<1024x100000xf32, #tpu.memory_space<hbm>> -> memref<1x16xf32, #tpu.memory_space<hbm>>
    %dma_start3A_119 = tpu.memref_squeeze %dma_start3A_118 : memref<1x16xf32, #tpu.memory_space<hbm>> -> memref<16xf32, #tpu.memory_space<hbm>>
    tpu.enqueue_dma source(%dma_start3A_119 : memref<16xf32, #tpu.memory_space<hbm>>) target(%dma_start3A_117 : memref<16xf32, #tpu.memory_space<vmem>>) target_semaphore(%arg7 : memref<!tpu.dma_semaphore, #tpu.memory_space<semaphore_mem>>)
    %slice3A_120 = vector.extract_strided_slice %get3A_4 {offsets = [6], sizes = [1], strides = [1]} : vector<16xi32> to vector<1xi32>
    %squeeze3A_121 = vector.extract %slice3A_120[0] : i32 from vector<1xi32>
    %shift_right_arithmetic3A_122 = arith.constant 4 : i32
    %shift_right_arithmetic3A_123 = arith.shrsi %squeeze3A_121, %shift_right_arithmetic3A_122 : i32
    %shift_left3A_124 = arith.constant 4 : i32
    %shift_left3A_125 = arith.shli %shift_right_arithmetic3A_123, %shift_left3A_124 : i32
    %multiple_of3A_126 = tpu.assume_multiple %shift_left3A_125, 16 : i32
    %add3A_127 = arith.constant 6 : i32
    %add3A_128 = arith.addi %multiple_of3A, %add3A_127 : i32
    %dma_start3A_129 = arith.constant 6 : i32
    %dma_start3A_130 = arith.constant 0 : i32
    %dma_start3A_131 = tpu.memref_slice %arg6[%dma_start3A_129, %dma_start3A_130] : memref<32x16xf32, #tpu.memory_space<vmem>> -> memref<1x16xf32, #tpu.memory_space<vmem>>
    %dma_start3A_132 = tpu.memref_squeeze %dma_start3A_131 : memref<1x16xf32, #tpu.memory_space<vmem>> -> memref<16xf32, #tpu.memory_space<vmem>>
    %dma_start3A_133 = tpu.memref_slice %arg2[%add3A_128, %multiple_of3A_126] : memref<1024x100000xf32, #tpu.memory_space<hbm>> -> memref<1x16xf32, #tpu.memory_space<hbm>>
    %dma_start3A_134 = tpu.memref_squeeze %dma_start3A_133 : memref<1x16xf32, #tpu.memory_space<hbm>> -> memref<16xf32, #tpu.memory_space<hbm>>
    %dma_start3A_135 = arith.constant 0 : i32
    %dma_start3A_136 = tpu.memref_slice %arg6[%dma_start3A_129, %dma_start3A_135] : memref<32x16xf32, #tpu.memory_space<vmem>> -> memref<1x16xf32, #tpu.memory_space<vmem>>
    %dma_start3A_137 = tpu.memref_squeeze %dma_start3A_136 : memref<1x16xf32, #tpu.memory_space<vmem>> -> memref<16xf32, #tpu.memory_space<vmem>>
    %dma_start3A_138 = tpu.memref_slice %arg2[%add3A_128, %multiple_of3A_126] : memref<1024x100000xf32, #tpu.memory_space<hbm>> -> memref<1x16xf32, #tpu.memory_space<hbm>>
    %dma_start3A_139 = tpu.memref_squeeze %dma_start3A_138 : memref<1x16xf32, #tpu.memory_space<hbm>> -> memref<16xf32, #tpu.memory_space<hbm>>
    tpu.enqueue_dma source(%dma_start3A_139 : memref<16xf32, #tpu.memory_space<hbm>>) target(%dma_start3A_137 : memref<16xf32, #tpu.memory_space<vmem>>) target_semaphore(%arg7 : memref<!tpu.dma_semaphore, #tpu.memory_space<semaphore_mem>>)
    %slice3A_140 = vector.extract_strided_slice %get3A_4 {offsets = [7], sizes = [1], strides = [1]} : vector<16xi32> to vector<1xi32>
    %squeeze3A_141 = vector.extract %slice3A_140[0] : i32 from vector<1xi32>
    %shift_right_arithmetic3A_142 = arith.constant 4 : i32
    %shift_right_arithmetic3A_143 = arith.shrsi %squeeze3A_141, %shift_right_arithmetic3A_142 : i32
    %shift_left3A_144 = arith.constant 4 : i32
    %shift_left3A_145 = arith.shli %shift_right_arithmetic3A_143, %shift_left3A_144 : i32
    %multiple_of3A_146 = tpu.assume_multiple %shift_left3A_145, 16 : i32
    %add3A_147 = arith.constant 7 : i32
    %add3A_148 = arith.addi %multiple_of3A, %add3A_147 : i32
    %dma_start3A_149 = arith.constant 7 : i32
    %dma_start3A_150 = arith.constant 0 : i32
    %dma_start3A_151 = tpu.memref_slice %arg6[%dma_start3A_149, %dma_start3A_150] : memref<32x16xf32, #tpu.memory_space<vmem>> -> memref<1x16xf32, #tpu.memory_space<vmem>>
    %dma_start3A_152 = tpu.memref_squeeze %dma_start3A_151 : memref<1x16xf32, #tpu.memory_space<vmem>> -> memref<16xf32, #tpu.memory_space<vmem>>
    %dma_start3A_153 = tpu.memref_slice %arg2[%add3A_148, %multiple_of3A_146] : memref<1024x100000xf32, #tpu.memory_space<hbm>> -> memref<1x16xf32, #tpu.memory_space<hbm>>
    %dma_start3A_154 = tpu.memref_squeeze %dma_start3A_153 : memref<1x16xf32, #tpu.memory_space<hbm>> -> memref<16xf32, #tpu.memory_space<hbm>>
    %dma_start3A_155 = arith.constant 0 : i32
    %dma_start3A_156 = tpu.memref_slice %arg6[%dma_start3A_149, %dma_start3A_155] : memref<32x16xf32, #tpu.memory_space<vmem>> -> memref<1x16xf32, #tpu.memory_space<vmem>>
    %dma_start3A_157 = tpu.memref_squeeze %dma_start3A_156 : memref<1x16xf32, #tpu.memory_space<vmem>> -> memref<16xf32, #tpu.memory_space<vmem>>
    %dma_start3A_158 = tpu.memref_slice %arg2[%add3A_148, %multiple_of3A_146] : memref<1024x100000xf32, #tpu.memory_space<hbm>> -> memref<1x16xf32, #tpu.memory_space<hbm>>
    %dma_start3A_159 = tpu.memref_squeeze %dma_start3A_158 : memref<1x16xf32, #tpu.memory_space<hbm>> -> memref<16xf32, #tpu.memory_space<hbm>>
    tpu.enqueue_dma source(%dma_start3A_159 : memref<16xf32, #tpu.memory_space<hbm>>) target(%dma_start3A_157 : memref<16xf32, #tpu.memory_space<vmem>>) target_semaphore(%arg7 : memref<!tpu.dma_semaphore, #tpu.memory_space<semaphore_mem>>)
    %slice3A_160 = vector.extract_strided_slice %get3A_4 {offsets = [8], sizes = [1], strides = [1]} : vector<16xi32> to vector<1xi32>
    %squeeze3A_161 = vector.extract %slice3A_160[0] : i32 from vector<1xi32>
    %shift_right_arithmetic3A_162 = arith.constant 4 : i32
    %shift_right_arithmetic3A_163 = arith.shrsi %squeeze3A_161, %shift_right_arithmetic3A_162 : i32
    %shift_left3A_164 = arith.constant 4 : i32
    %shift_left3A_165 = arith.shli %shift_right_arithmetic3A_163, %shift_left3A_164 : i32
    %multiple_of3A_166 = tpu.assume_multiple %shift_left3A_165, 16 : i32
    %add3A_167 = arith.constant 8 : i32
    %add3A_168 = arith.addi %multiple_of3A, %add3A_167 : i32
    %dma_start3A_169 = arith.constant 8 : i32
    %dma_start3A_170 = arith.constant 0 : i32
    %dma_start3A_171 = tpu.memref_slice %arg6[%dma_start3A_169, %dma_start3A_170] : memref<32x16xf32, #tpu.memory_space<vmem>> -> memref<1x16xf32, #tpu.memory_space<vmem>>
    %dma_start3A_172 = tpu.memref_squeeze %dma_start3A_171 : memref<1x16xf32, #tpu.memory_space<vmem>> -> memref<16xf32, #tpu.memory_space<vmem>>
    %dma_start3A_173 = tpu.memref_slice %arg2[%add3A_168, %multiple_of3A_166] : memref<1024x100000xf32, #tpu.memory_space<hbm>> -> memref<1x16xf32, #tpu.memory_space<hbm>>
    %dma_start3A_174 = tpu.memref_squeeze %dma_start3A_173 : memref<1x16xf32, #tpu.memory_space<hbm>> -> memref<16xf32, #tpu.memory_space<hbm>>
    %dma_start3A_175 = arith.constant 0 : i32
    %dma_start3A_176 = tpu.memref_slice %arg6[%dma_start3A_169, %dma_start3A_175] : memref<32x16xf32, #tpu.memory_space<vmem>> -> memref<1x16xf32, #tpu.memory_space<vmem>>
    %dma_start3A_177 = tpu.memref_squeeze %dma_start3A_176 : memref<1x16xf32, #tpu.memory_space<vmem>> -> memref<16xf32, #tpu.memory_space<vmem>>
    %dma_start3A_178 = tpu.memref_slice %arg2[%add3A_168, %multiple_of3A_166] : memref<1024x100000xf32, #tpu.memory_space<hbm>> -> memref<1x16xf32, #tpu.memory_space<hbm>>
    %dma_start3A_179 = tpu.memref_squeeze %dma_start3A_178 : memref<1x16xf32, #tpu.memory_space<hbm>> -> memref<16xf32, #tpu.memory_space<hbm>>
    tpu.enqueue_dma source(%dma_start3A_179 : memref<16xf32, #tpu.memory_space<hbm>>) target(%dma_start3A_177 : memref<16xf32, #tpu.memory_space<vmem>>) target_semaphore(%arg7 : memref<!tpu.dma_semaphore, #tpu.memory_space<semaphore_mem>>)
    %slice3A_180 = vector.extract_strided_slice %get3A_4 {offsets = [9], sizes = [1], strides = [1]} : vector<16xi32> to vector<1xi32>
    %squeeze3A_181 = vector.extract %slice3A_180[0] : i32 from vector<1xi32>
    %shift_right_arithmetic3A_182 = arith.constant 4 : i32
    %shift_right_arithmetic3A_183 = arith.shrsi %squeeze3A_181, %shift_right_arithmetic3A_182 : i32
    %shift_left3A_184 = arith.constant 4 : i32
    %shift_left3A_185 = arith.shli %shift_right_arithmetic3A_183, %shift_left3A_184 : i32
    %multiple_of3A_186 = tpu.assume_multiple %shift_left3A_185, 16 : i32
    %add3A_187 = arith.constant 9 : i32
    %add3A_188 = arith.addi %multiple_of3A, %add3A_187 : i32
    %dma_start3A_189 = arith.constant 9 : i32
    %dma_start3A_190 = arith.constant 0 : i32
    %dma_start3A_191 = tpu.memref_slice %arg6[%dma_start3A_189, %dma_start3A_190] : memref<32x16xf32, #tpu.memory_space<vmem>> -> memref<1x16xf32, #tpu.memory_space<vmem>>
    %dma_start3A_192 = tpu.memref_squeeze %dma_start3A_191 : memref<1x16xf32, #tpu.memory_space<vmem>> -> memref<16xf32, #tpu.memory_space<vmem>>
    %dma_start3A_193 = tpu.memref_slice %arg2[%add3A_188, %multiple_of3A_186] : memref<1024x100000xf32, #tpu.memory_space<hbm>> -> memref<1x16xf32, #tpu.memory_space<hbm>>
    %dma_start3A_194 = tpu.memref_squeeze %dma_start3A_193 : memref<1x16xf32, #tpu.memory_space<hbm>> -> memref<16xf32, #tpu.memory_space<hbm>>
    %dma_start3A_195 = arith.constant 0 : i32
    %dma_start3A_196 = tpu.memref_slice %arg6[%dma_start3A_189, %dma_start3A_195] : memref<32x16xf32, #tpu.memory_space<vmem>> -> memref<1x16xf32, #tpu.memory_space<vmem>>
    %dma_start3A_197 = tpu.memref_squeeze %dma_start3A_196 : memref<1x16xf32, #tpu.memory_space<vmem>> -> memref<16xf32, #tpu.memory_space<vmem>>
    %dma_start3A_198 = tpu.memref_slice %arg2[%add3A_188, %multiple_of3A_186] : memref<1024x100000xf32, #tpu.memory_space<hbm>> -> memref<1x16xf32, #tpu.memory_space<hbm>>
    %dma_start3A_199 = tpu.memref_squeeze %dma_start3A_198 : memref<1x16xf32, #tpu.memory_space<hbm>> -> memref<16xf32, #tpu.memory_space<hbm>>
    tpu.enqueue_dma source(%dma_start3A_199 : memref<16xf32, #tpu.memory_space<hbm>>) target(%dma_start3A_197 : memref<16xf32, #tpu.memory_space<vmem>>) target_semaphore(%arg7 : memref<!tpu.dma_semaphore, #tpu.memory_space<semaphore_mem>>)
    %slice3A_200 = vector.extract_strided_slice %get3A_4 {offsets = [10], sizes = [1], strides = [1]} : vector<16xi32> to vector<1xi32>
    %squeeze3A_201 = vector.extract %slice3A_200[0] : i32 from vector<1xi32>
    %shift_right_arithmetic3A_202 = arith.constant 4 : i32
    %shift_right_arithmetic3A_203 = arith.shrsi %squeeze3A_201, %shift_right_arithmetic3A_202 : i32
    %shift_left3A_204 = arith.constant 4 : i32
    %shift_left3A_205 = arith.shli %shift_right_arithmetic3A_203, %shift_left3A_204 : i32
    %multiple_of3A_206 = tpu.assume_multiple %shift_left3A_205, 16 : i32
    %add3A_207 = arith.constant 10 : i32
    %add3A_208 = arith.addi %multiple_of3A, %add3A_207 : i32
    %dma_start3A_209 = arith.constant 10 : i32
    %dma_start3A_210 = arith.constant 0 : i32
    %dma_start3A_211 = tpu.memref_slice %arg6[%dma_start3A_209, %dma_start3A_210] : memref<32x16xf32, #tpu.memory_space<vmem>> -> memref<1x16xf32, #tpu.memory_space<vmem>>
    %dma_start3A_212 = tpu.memref_squeeze %dma_start3A_211 : memref<1x16xf32, #tpu.memory_space<vmem>> -> memref<16xf32, #tpu.memory_space<vmem>>
    %dma_start3A_213 = tpu.memref_slice %arg2[%add3A_208, %multiple_of3A_206] : memref<1024x100000xf32, #tpu.memory_space<hbm>> -> memref<1x16xf32, #tpu.memory_space<hbm>>
    %dma_start3A_214 = tpu.memref_squeeze %dma_start3A_213 : memref<1x16xf32, #tpu.memory_space<hbm>> -> memref<16xf32, #tpu.memory_space<hbm>>
    %dma_start3A_215 = arith.constant 0 : i32
    %dma_start3A_216 = tpu.memref_slice %arg6[%dma_start3A_209, %dma_start3A_215] : memref<32x16xf32, #tpu.memory_space<vmem>> -> memref<1x16xf32, #tpu.memory_space<vmem>>
    %dma_start3A_217 = tpu.memref_squeeze %dma_start3A_216 : memref<1x16xf32, #tpu.memory_space<vmem>> -> memref<16xf32, #tpu.memory_space<vmem>>
    %dma_start3A_218 = tpu.memref_slice %arg2[%add3A_208, %multiple_of3A_206] : memref<1024x100000xf32, #tpu.memory_space<hbm>> -> memref<1x16xf32, #tpu.memory_space<hbm>>
    %dma_start3A_219 = tpu.memref_squeeze %dma_start3A_218 : memref<1x16xf32, #tpu.memory_space<hbm>> -> memref<16xf32, #tpu.memory_space<hbm>>
    tpu.enqueue_dma source(%dma_start3A_219 : memref<16xf32, #tpu.memory_space<hbm>>) target(%dma_start3A_217 : memref<16xf32, #tpu.memory_space<vmem>>) target_semaphore(%arg7 : memref<!tpu.dma_semaphore, #tpu.memory_space<semaphore_mem>>)
    %slice3A_220 = vector.extract_strided_slice %get3A_4 {offsets = [11], sizes = [1], strides = [1]} : vector<16xi32> to vector<1xi32>
    %squeeze3A_221 = vector.extract %slice3A_220[0] : i32 from vector<1xi32>
    %shift_right_arithmetic3A_222 = arith.constant 4 : i32
    %shift_right_arithmetic3A_223 = arith.shrsi %squeeze3A_221, %shift_right_arithmetic3A_222 : i32
    %shift_left3A_224 = arith.constant 4 : i32
    %shift_left3A_225 = arith.shli %shift_right_arithmetic3A_223, %shift_left3A_224 : i32
    %multiple_of3A_226 = tpu.assume_multiple %shift_left3A_225, 16 : i32
    %add3A_227 = arith.constant 11 : i32
    %add3A_228 = arith.addi %multiple_of3A, %add3A_227 : i32
    %dma_start3A_229 = arith.constant 11 : i32
    %dma_start3A_230 = arith.constant 0 : i32
    %dma_start3A_231 = tpu.memref_slice %arg6[%dma_start3A_229, %dma_start3A_230] : memref<32x16xf32, #tpu.memory_space<vmem>> -> memref<1x16xf32, #tpu.memory_space<vmem>>
    %dma_start3A_232 = tpu.memref_squeeze %dma_start3A_231 : memref<1x16xf32, #tpu.memory_space<vmem>> -> memref<16xf32, #tpu.memory_space<vmem>>
    %dma_start3A_233 = tpu.memref_slice %arg2[%add3A_228, %multiple_of3A_226] : memref<1024x100000xf32, #tpu.memory_space<hbm>> -> memref<1x16xf32, #tpu.memory_space<hbm>>
    %dma_start3A_234 = tpu.memref_squeeze %dma_start3A_233 : memref<1x16xf32, #tpu.memory_space<hbm>> -> memref<16xf32, #tpu.memory_space<hbm>>
    %dma_start3A_235 = arith.constant 0 : i32
    %dma_start3A_236 = tpu.memref_slice %arg6[%dma_start3A_229, %dma_start3A_235] : memref<32x16xf32, #tpu.memory_space<vmem>> -> memref<1x16xf32, #tpu.memory_space<vmem>>
    %dma_start3A_237 = tpu.memref_squeeze %dma_start3A_236 : memref<1x16xf32, #tpu.memory_space<vmem>> -> memref<16xf32, #tpu.memory_space<vmem>>
    %dma_start3A_238 = tpu.memref_slice %arg2[%add3A_228, %multiple_of3A_226] : memref<1024x100000xf32, #tpu.memory_space<hbm>> -> memref<1x16xf32, #tpu.memory_space<hbm>>
    %dma_start3A_239 = tpu.memref_squeeze %dma_start3A_238 : memref<1x16xf32, #tpu.memory_space<hbm>> -> memref<16xf32, #tpu.memory_space<hbm>>
    tpu.enqueue_dma source(%dma_start3A_239 : memref<16xf32, #tpu.memory_space<hbm>>) target(%dma_start3A_237 : memref<16xf32, #tpu.memory_space<vmem>>) target_semaphore(%arg7 : memref<!tpu.dma_semaphore, #tpu.memory_space<semaphore_mem>>)
    %slice3A_240 = vector.extract_strided_slice %get3A_4 {offsets = [12], sizes = [1], strides = [1]} : vector<16xi32> to vector<1xi32>
    %squeeze3A_241 = vector.extract %slice3A_240[0] : i32 from vector<1xi32>
    %shift_right_arithmetic3A_242 = arith.constant 4 : i32
    %shift_right_arithmetic3A_243 = arith.shrsi %squeeze3A_241, %shift_right_arithmetic3A_242 : i32
    %shift_left3A_244 = arith.constant 4 : i32
    %shift_left3A_245 = arith.shli %shift_right_arithmetic3A_243, %shift_left3A_244 : i32
    %multiple_of3A_246 = tpu.assume_multiple %shift_left3A_245, 16 : i32
    %add3A_247 = arith.constant 12 : i32
    %add3A_248 = arith.addi %multiple_of3A, %add3A_247 : i32
    %dma_start3A_249 = arith.constant 12 : i32
    %dma_start3A_250 = arith.constant 0 : i32
    %dma_start3A_251 = tpu.memref_slice %arg6[%dma_start3A_249, %dma_start3A_250] : memref<32x16xf32, #tpu.memory_space<vmem>> -> memref<1x16xf32, #tpu.memory_space<vmem>>
    %dma_start3A_252 = tpu.memref_squeeze %dma_start3A_251 : memref<1x16xf32, #tpu.memory_space<vmem>> -> memref<16xf32, #tpu.memory_space<vmem>>
    %dma_start3A_253 = tpu.memref_slice %arg2[%add3A_248, %multiple_of3A_246] : memref<1024x100000xf32, #tpu.memory_space<hbm>> -> memref<1x16xf32, #tpu.memory_space<hbm>>
    %dma_start3A_254 = tpu.memref_squeeze %dma_start3A_253 : memref<1x16xf32, #tpu.memory_space<hbm>> -> memref<16xf32, #tpu.memory_space<hbm>>
    %dma_start3A_255 = arith.constant 0 : i32
    %dma_start3A_256 = tpu.memref_slice %arg6[%dma_start3A_249, %dma_start3A_255] : memref<32x16xf32, #tpu.memory_space<vmem>> -> memref<1x16xf32, #tpu.memory_space<vmem>>
    %dma_start3A_257 = tpu.memref_squeeze %dma_start3A_256 : memref<1x16xf32, #tpu.memory_space<vmem>> -> memref<16xf32, #tpu.memory_space<vmem>>
    %dma_start3A_258 = tpu.memref_slice %arg2[%add3A_248, %multiple_of3A_246] : memref<1024x100000xf32, #tpu.memory_space<hbm>> -> memref<1x16xf32, #tpu.memory_space<hbm>>
    %dma_start3A_259 = tpu.memref_squeeze %dma_start3A_258 : memref<1x16xf32, #tpu.memory_space<hbm>> -> memref<16xf32, #tpu.memory_space<hbm>>
    tpu.enqueue_dma source(%dma_start3A_259 : memref<16xf32, #tpu.memory_space<hbm>>) target(%dma_start3A_257 : memref<16xf32, #tpu.memory_space<vmem>>) target_semaphore(%arg7 : memref<!tpu.dma_semaphore, #tpu.memory_space<semaphore_mem>>)
    %slice3A_260 = vector.extract_strided_slice %get3A_4 {offsets = [13], sizes = [1], strides = [1]} : vector<16xi32> to vector<1xi32>
    %squeeze3A_261 = vector.extract %slice3A_260[0] : i32 from vector<1xi32>
    %shift_right_arithmetic3A_262 = arith.constant 4 : i32
    %shift_right_arithmetic3A_263 = arith.shrsi %squeeze3A_261, %shift_right_arithmetic3A_262 : i32
    %shift_left3A_264 = arith.constant 4 : i32
    %shift_left3A_265 = arith.shli %shift_right_arithmetic3A_263, %shift_left3A_264 : i32
    %multiple_of3A_266 = tpu.assume_multiple %shift_left3A_265, 16 : i32
    %add3A_267 = arith.constant 13 : i32
    %add3A_268 = arith.addi %multiple_of3A, %add3A_267 : i32
    %dma_start3A_269 = arith.constant 13 : i32
    %dma_start3A_270 = arith.constant 0 : i32
    %dma_start3A_271 = tpu.memref_slice %arg6[%dma_start3A_269, %dma_start3A_270] : memref<32x16xf32, #tpu.memory_space<vmem>> -> memref<1x16xf32, #tpu.memory_space<vmem>>
    %dma_start3A_272 = tpu.memref_squeeze %dma_start3A_271 : memref<1x16xf32, #tpu.memory_space<vmem>> -> memref<16xf32, #tpu.memory_space<vmem>>
    %dma_start3A_273 = tpu.memref_slice %arg2[%add3A_268, %multiple_of3A_266] : memref<1024x100000xf32, #tpu.memory_space<hbm>> -> memref<1x16xf32, #tpu.memory_space<hbm>>
    %dma_start3A_274 = tpu.memref_squeeze %dma_start3A_273 : memref<1x16xf32, #tpu.memory_space<hbm>> -> memref<16xf32, #tpu.memory_space<hbm>>
    %dma_start3A_275 = arith.constant 0 : i32
    %dma_start3A_276 = tpu.memref_slice %arg6[%dma_start3A_269, %dma_start3A_275] : memref<32x16xf32, #tpu.memory_space<vmem>> -> memref<1x16xf32, #tpu.memory_space<vmem>>
    %dma_start3A_277 = tpu.memref_squeeze %dma_start3A_276 : memref<1x16xf32, #tpu.memory_space<vmem>> -> memref<16xf32, #tpu.memory_space<vmem>>
    %dma_start3A_278 = tpu.memref_slice %arg2[%add3A_268, %multiple_of3A_266] : memref<1024x100000xf32, #tpu.memory_space<hbm>> -> memref<1x16xf32, #tpu.memory_space<hbm>>
    %dma_start3A_279 = tpu.memref_squeeze %dma_start3A_278 : memref<1x16xf32, #tpu.memory_space<hbm>> -> memref<16xf32, #tpu.memory_space<hbm>>
    tpu.enqueue_dma source(%dma_start3A_279 : memref<16xf32, #tpu.memory_space<hbm>>) target(%dma_start3A_277 : memref<16xf32, #tpu.memory_space<vmem>>) target_semaphore(%arg7 : memref<!tpu.dma_semaphore, #tpu.memory_space<semaphore_mem>>)
    %slice3A_280 = vector.extract_strided_slice %get3A_4 {offsets = [14], sizes = [1], strides = [1]} : vector<16xi32> to vector<1xi32>
    %squeeze3A_281 = vector.extract %slice3A_280[0] : i32 from vector<1xi32>
    %shift_right_arithmetic3A_282 = arith.constant 4 : i32
    %shift_right_arithmetic3A_283 = arith.shrsi %squeeze3A_281, %shift_right_arithmetic3A_282 : i32
    %shift_left3A_284 = arith.constant 4 : i32
    %shift_left3A_285 = arith.shli %shift_right_arithmetic3A_283, %shift_left3A_284 : i32
    %multiple_of3A_286 = tpu.assume_multiple %shift_left3A_285, 16 : i32
    %add3A_287 = arith.constant 14 : i32
    %add3A_288 = arith.addi %multiple_of3A, %add3A_287 : i32
    %dma_start3A_289 = arith.constant 14 : i32
    %dma_start3A_290 = arith.constant 0 : i32
    %dma_start3A_291 = tpu.memref_slice %arg6[%dma_start3A_289, %dma_start3A_290] : memref<32x16xf32, #tpu.memory_space<vmem>> -> memref<1x16xf32, #tpu.memory_space<vmem>>
    %dma_start3A_292 = tpu.memref_squeeze %dma_start3A_291 : memref<1x16xf32, #tpu.memory_space<vmem>> -> memref<16xf32, #tpu.memory_space<vmem>>
    %dma_start3A_293 = tpu.memref_slice %arg2[%add3A_288, %multiple_of3A_286] : memref<1024x100000xf32, #tpu.memory_space<hbm>> -> memref<1x16xf32, #tpu.memory_space<hbm>>
    %dma_start3A_294 = tpu.memref_squeeze %dma_start3A_293 : memref<1x16xf32, #tpu.memory_space<hbm>> -> memref<16xf32, #tpu.memory_space<hbm>>
    %dma_start3A_295 = arith.constant 0 : i32
    %dma_start3A_296 = tpu.memref_slice %arg6[%dma_start3A_289, %dma_start3A_295] : memref<32x16xf32, #tpu.memory_space<vmem>> -> memref<1x16xf32, #tpu.memory_space<vmem>>
    %dma_start3A_297 = tpu.memref_squeeze %dma_start3A_296 : memref<1x16xf32, #tpu.memory_space<vmem>> -> memref<16xf32, #tpu.memory_space<vmem>>
    %dma_start3A_298 = tpu.memref_slice %arg2[%add3A_288, %multiple_of3A_286] : memref<1024x100000xf32, #tpu.memory_space<hbm>> -> memref<1x16xf32, #tpu.memory_space<hbm>>
    %dma_start3A_299 = tpu.memref_squeeze %dma_start3A_298 : memref<1x16xf32, #tpu.memory_space<hbm>> -> memref<16xf32, #tpu.memory_space<hbm>>
    tpu.enqueue_dma source(%dma_start3A_299 : memref<16xf32, #tpu.memory_space<hbm>>) target(%dma_start3A_297 : memref<16xf32, #tpu.memory_space<vmem>>) target_semaphore(%arg7 : memref<!tpu.dma_semaphore, #tpu.memory_space<semaphore_mem>>)
    %slice3A_300 = vector.extract_strided_slice %get3A_4 {offsets = [15], sizes = [1], strides = [1]} : vector<16xi32> to vector<1xi32>
    %squeeze3A_301 = vector.extract %slice3A_300[0] : i32 from vector<1xi32>
    %shift_right_arithmetic3A_302 = arith.constant 4 : i32
    %shift_right_arithmetic3A_303 = arith.shrsi %squeeze3A_301, %shift_right_arithmetic3A_302 : i32
    %shift_left3A_304 = arith.constant 4 : i32
    %shift_left3A_305 = arith.shli %shift_right_arithmetic3A_303, %shift_left3A_304 : i32
    %multiple_of3A_306 = tpu.assume_multiple %shift_left3A_305, 16 : i32
    %add3A_307 = arith.constant 15 : i32
    %add3A_308 = arith.addi %multiple_of3A, %add3A_307 : i32
    %dma_start3A_309 = arith.constant 15 : i32
    %dma_start3A_310 = arith.constant 0 : i32
    %dma_start3A_311 = tpu.memref_slice %arg6[%dma_start3A_309, %dma_start3A_310] : memref<32x16xf32, #tpu.memory_space<vmem>> -> memref<1x16xf32, #tpu.memory_space<vmem>>
    %dma_start3A_312 = tpu.memref_squeeze %dma_start3A_311 : memref<1x16xf32, #tpu.memory_space<vmem>> -> memref<16xf32, #tpu.memory_space<vmem>>
    %dma_start3A_313 = tpu.memref_slice %arg2[%add3A_308, %multiple_of3A_306] : memref<1024x100000xf32, #tpu.memory_space<hbm>> -> memref<1x16xf32, #tpu.memory_space<hbm>>
    %dma_start3A_314 = tpu.memref_squeeze %dma_start3A_313 : memref<1x16xf32, #tpu.memory_space<hbm>> -> memref<16xf32, #tpu.memory_space<hbm>>
    %dma_start3A_315 = arith.constant 0 : i32
    %dma_start3A_316 = tpu.memref_slice %arg6[%dma_start3A_309, %dma_start3A_315] : memref<32x16xf32, #tpu.memory_space<vmem>> -> memref<1x16xf32, #tpu.memory_space<vmem>>
    %dma_start3A_317 = tpu.memref_squeeze %dma_start3A_316 : memref<1x16xf32, #tpu.memory_space<vmem>> -> memref<16xf32, #tpu.memory_space<vmem>>
    %dma_start3A_318 = tpu.memref_slice %arg2[%add3A_308, %multiple_of3A_306] : memref<1024x100000xf32, #tpu.memory_space<hbm>> -> memref<1x16xf32, #tpu.memory_space<hbm>>
    %dma_start3A_319 = tpu.memref_squeeze %dma_start3A_318 : memref<1x16xf32, #tpu.memory_space<hbm>> -> memref<16xf32, #tpu.memory_space<hbm>>
    tpu.enqueue_dma source(%dma_start3A_319 : memref<16xf32, #tpu.memory_space<hbm>>) target(%dma_start3A_317 : memref<16xf32, #tpu.memory_space<vmem>>) target_semaphore(%arg7 : memref<!tpu.dma_semaphore, #tpu.memory_space<semaphore_mem>>)
    %get3A_320 = arith.constant 16 : index
    %get3A_321 = tpu.vector_load %arg5[%get3A_320] {strides = array<i32>} : memref<32xi32, #tpu.memory_space<vmem>>, vector<16xi32>,
    %get3A_322 = vector.shape_cast %get3A_321 : vector<16xi32> to vector<16xi32>
    %slice3A_323 = vector.extract_strided_slice %get3A_322 {offsets = [0], sizes = [1], strides = [1]} : vector<16xi32> to vector<1xi32>
    %squeeze3A_324 = vector.extract %slice3A_323[0] : i32 from vector<1xi32>
    %shift_right_arithmetic3A_325 = arith.constant 4 : i32
    %shift_right_arithmetic3A_326 = arith.shrsi %squeeze3A_324, %shift_right_arithmetic3A_325 : i32
    %shift_left3A_327 = arith.constant 4 : i32
    %shift_left3A_328 = arith.shli %shift_right_arithmetic3A_326, %shift_left3A_327 : i32
    %multiple_of3A_329 = tpu.assume_multiple %shift_left3A_328, 16 : i32
    %add3A_330 = arith.constant 16 : i32
    %add3A_331 = arith.addi %multiple_of3A, %add3A_330 : i32
    %dma_start3A_332 = arith.constant 16 : i32
    %dma_start3A_333 = arith.constant 0 : i32
    %dma_start3A_334 = tpu.memref_slice %arg6[%dma_start3A_332, %dma_start3A_333] : memref<32x16xf32, #tpu.memory_space<vmem>> -> memref<1x16xf32, #tpu.memory_space<vmem>>
    %dma_start3A_335 = tpu.memref_squeeze %dma_start3A_334 : memref<1x16xf32, #tpu.memory_space<vmem>> -> memref<16xf32, #tpu.memory_space<vmem>>
    %dma_start3A_336 = tpu.memref_slice %arg2[%add3A_331, %multiple_of3A_329] : memref<1024x100000xf32, #tpu.memory_space<hbm>> -> memref<1x16xf32, #tpu.memory_space<hbm>>
    %dma_start3A_337 = tpu.memref_squeeze %dma_start3A_336 : memref<1x16xf32, #tpu.memory_space<hbm>> -> memref<16xf32, #tpu.memory_space<hbm>>
    %dma_start3A_338 = arith.constant 0 : i32
    %dma_start3A_339 = tpu.memref_slice %arg6[%dma_start3A_332, %dma_start3A_338] : memref<32x16xf32, #tpu.memory_space<vmem>> -> memref<1x16xf32, #tpu.memory_space<vmem>>
    %dma_start3A_340 = tpu.memref_squeeze %dma_start3A_339 : memref<1x16xf32, #tpu.memory_space<vmem>> -> memref<16xf32, #tpu.memory_space<vmem>>
    %dma_start3A_341 = tpu.memref_slice %arg2[%add3A_331, %multiple_of3A_329] : memref<1024x100000xf32, #tpu.memory_space<hbm>> -> memref<1x16xf32, #tpu.memory_space<hbm>>
    %dma_start3A_342 = tpu.memref_squeeze %dma_start3A_341 : memref<1x16xf32, #tpu.memory_space<hbm>> -> memref<16xf32, #tpu.memory_space<hbm>>
    tpu.enqueue_dma source(%dma_start3A_342 : memref<16xf32, #tpu.memory_space<hbm>>) target(%dma_start3A_340 : memref<16xf32, #tpu.memory_space<vmem>>) target_semaphore(%arg7 : memref<!tpu.dma_semaphore, #tpu.memory_space<semaphore_mem>>)
    %slice3A_343 = vector.extract_strided_slice %get3A_322 {offsets = [1], sizes = [1], strides = [1]} : vector<16xi32> to vector<1xi32>
    %squeeze3A_344 = vector.extract %slice3A_343[0] : i32 from vector<1xi32>
    %shift_right_arithmetic3A_345 = arith.constant 4 : i32
    %shift_right_arithmetic3A_346 = arith.shrsi %squeeze3A_344, %shift_right_arithmetic3A_345 : i32
    %shift_left3A_347 = arith.constant 4 : i32
    %shift_left3A_348 = arith.shli %shift_right_arithmetic3A_346, %shift_left3A_347 : i32
    %multiple_of3A_349 = tpu.assume_multiple %shift_left3A_348, 16 : i32
    %add3A_350 = arith.constant 17 : i32
    %add3A_351 = arith.addi %multiple_of3A, %add3A_350 : i32
    %dma_start3A_352 = arith.constant 17 : i32
    %dma_start3A_353 = arith.constant 0 : i32
    %dma_start3A_354 = tpu.memref_slice %arg6[%dma_start3A_352, %dma_start3A_353] : memref<32x16xf32, #tpu.memory_space<vmem>> -> memref<1x16xf32, #tpu.memory_space<vmem>>
    %dma_start3A_355 = tpu.memref_squeeze %dma_start3A_354 : memref<1x16xf32, #tpu.memory_space<vmem>> -> memref<16xf32, #tpu.memory_space<vmem>>
    %dma_start3A_356 = tpu.memref_slice %arg2[%add3A_351, %multiple_of3A_349] : memref<1024x100000xf32, #tpu.memory_space<hbm>> -> memref<1x16xf32, #tpu.memory_space<hbm>>
    %dma_start3A_357 = tpu.memref_squeeze %dma_start3A_356 : memref<1x16xf32, #tpu.memory_space<hbm>> -> memref<16xf32, #tpu.memory_space<hbm>>
    %dma_start3A_358 = arith.constant 0 : i32
    %dma_start3A_359 = tpu.memref_slice %arg6[%dma_start3A_352, %dma_start3A_358] : memref<32x16xf32, #tpu.memory_space<vmem>> -> memref<1x16xf32, #tpu.memory_space<vmem>>
    %dma_start3A_360 = tpu.memref_squeeze %dma_start3A_359 : memref<1x16xf32, #tpu.memory_space<vmem>> -> memref<16xf32, #tpu.memory_space<vmem>>
    %dma_start3A_361 = tpu.memref_slice %arg2[%add3A_351, %multiple_of3A_349] : memref<1024x100000xf32, #tpu.memory_space<hbm>> -> memref<1x16xf32, #tpu.memory_space<hbm>>
    %dma_start3A_362 = tpu.memref_squeeze %dma_start3A_361 : memref<1x16xf32, #tpu.memory_space<hbm>> -> memref<16xf32, #tpu.memory_space<hbm>>
    tpu.enqueue_dma source(%dma_start3A_362 : memref<16xf32, #tpu.memory_space<hbm>>) target(%dma_start3A_360 : memref<16xf32, #tpu.memory_space<vmem>>) target_semaphore(%arg7 : memref<!tpu.dma_semaphore, #tpu.memory_space<semaphore_mem>>)
    %slice3A_363 = vector.extract_strided_slice %get3A_322 {offsets = [2], sizes = [1], strides = [1]} : vector<16xi32> to vector<1xi32>
    %squeeze3A_364 = vector.extract %slice3A_363[0] : i32 from vector<1xi32>
    %shift_right_arithmetic3A_365 = arith.constant 4 : i32
    %shift_right_arithmetic3A_366 = arith.shrsi %squeeze3A_364, %shift_right_arithmetic3A_365 : i32
    %shift_left3A_367 = arith.constant 4 : i32
    %shift_left3A_368 = arith.shli %shift_right_arithmetic3A_366, %shift_left3A_367 : i32
    %multiple_of3A_369 = tpu.assume_multiple %shift_left3A_368, 16 : i32
    %add3A_370 = arith.constant 18 : i32
    %add3A_371 = arith.addi %multiple_of3A, %add3A_370 : i32
    %dma_start3A_372 = arith.constant 18 : i32
    %dma_start3A_373 = arith.constant 0 : i32
    %dma_start3A_374 = tpu.memref_slice %arg6[%dma_start3A_372, %dma_start3A_373] : memref<32x16xf32, #tpu.memory_space<vmem>> -> memref<1x16xf32, #tpu.memory_space<vmem>>
    %dma_start3A_375 = tpu.memref_squeeze %dma_start3A_374 : memref<1x16xf32, #tpu.memory_space<vmem>> -> memref<16xf32, #tpu.memory_space<vmem>>
    %dma_start3A_376 = tpu.memref_slice %arg2[%add3A_371, %multiple_of3A_369] : memref<1024x100000xf32, #tpu.memory_space<hbm>> -> memref<1x16xf32, #tpu.memory_space<hbm>>
    %dma_start3A_377 = tpu.memref_squeeze %dma_start3A_376 : memref<1x16xf32, #tpu.memory_space<hbm>> -> memref<16xf32, #tpu.memory_space<hbm>>
    %dma_start3A_378 = arith.constant 0 : i32
    %dma_start3A_379 = tpu.memref_slice %arg6[%dma_start3A_372, %dma_start3A_378] : memref<32x16xf32, #tpu.memory_space<vmem>> -> memref<1x16xf32, #tpu.memory_space<vmem>>
    %dma_start3A_380 = tpu.memref_squeeze %dma_start3A_379 : memref<1x16xf32, #tpu.memory_space<vmem>> -> memref<16xf32, #tpu.memory_space<vmem>>
    %dma_start3A_381 = tpu.memref_slice %arg2[%add3A_371, %multiple_of3A_369] : memref<1024x100000xf32, #tpu.memory_space<hbm>> -> memref<1x16xf32, #tpu.memory_space<hbm>>
    %dma_start3A_382 = tpu.memref_squeeze %dma_start3A_381 : memref<1x16xf32, #tpu.memory_space<hbm>> -> memref<16xf32, #tpu.memory_space<hbm>>
    tpu.enqueue_dma source(%dma_start3A_382 : memref<16xf32, #tpu.memory_space<hbm>>) target(%dma_start3A_380 : memref<16xf32, #tpu.memory_space<vmem>>) target_semaphore(%arg7 : memref<!tpu.dma_semaphore, #tpu.memory_space<semaphore_mem>>)
    %slice3A_383 = vector.extract_strided_slice %get3A_322 {offsets = [3], sizes = [1], strides = [1]} : vector<16xi32> to vector<1xi32>
    %squeeze3A_384 = vector.extract %slice3A_383[0] : i32 from vector<1xi32>
    %shift_right_arithmetic3A_385 = arith.constant 4 : i32
    %shift_right_arithmetic3A_386 = arith.shrsi %squeeze3A_384, %shift_right_arithmetic3A_385 : i32
    %shift_left3A_387 = arith.constant 4 : i32
    %shift_left3A_388 = arith.shli %shift_right_arithmetic3A_386, %shift_left3A_387 : i32
    %multiple_of3A_389 = tpu.assume_multiple %shift_left3A_388, 16 : i32
    %add3A_390 = arith.constant 19 : i32
    %add3A_391 = arith.addi %multiple_of3A, %add3A_390 : i32
    %dma_start3A_392 = arith.constant 19 : i32
    %dma_start3A_393 = arith.constant 0 : i32
    %dma_start3A_394 = tpu.memref_slice %arg6[%dma_start3A_392, %dma_start3A_393] : memref<32x16xf32, #tpu.memory_space<vmem>> -> memref<1x16xf32, #tpu.memory_space<vmem>>
    %dma_start3A_395 = tpu.memref_squeeze %dma_start3A_394 : memref<1x16xf32, #tpu.memory_space<vmem>> -> memref<16xf32, #tpu.memory_space<vmem>>
    %dma_start3A_396 = tpu.memref_slice %arg2[%add3A_391, %multiple_of3A_389] : memref<1024x100000xf32, #tpu.memory_space<hbm>> -> memref<1x16xf32, #tpu.memory_space<hbm>>
    %dma_start3A_397 = tpu.memref_squeeze %dma_start3A_396 : memref<1x16xf32, #tpu.memory_space<hbm>> -> memref<16xf32, #tpu.memory_space<hbm>>
    %dma_start3A_398 = arith.constant 0 : i32
    %dma_start3A_399 = tpu.memref_slice %arg6[%dma_start3A_392, %dma_start3A_398] : memref<32x16xf32, #tpu.memory_space<vmem>> -> memref<1x16xf32, #tpu.memory_space<vmem>>
    %dma_start3A_400 = tpu.memref_squeeze %dma_start3A_399 : memref<1x16xf32, #tpu.memory_space<vmem>> -> memref<16xf32, #tpu.memory_space<vmem>>
    %dma_start3A_401 = tpu.memref_slice %arg2[%add3A_391, %multiple_of3A_389] : memref<1024x100000xf32, #tpu.memory_space<hbm>> -> memref<1x16xf32, #tpu.memory_space<hbm>>
    %dma_start3A_402 = tpu.memref_squeeze %dma_start3A_401 : memref<1x16xf32, #tpu.memory_space<hbm>> -> memref<16xf32, #tpu.memory_space<hbm>>
    tpu.enqueue_dma source(%dma_start3A_402 : memref<16xf32, #tpu.memory_space<hbm>>) target(%dma_start3A_400 : memref<16xf32, #tpu.memory_space<vmem>>) target_semaphore(%arg7 : memref<!tpu.dma_semaphore, #tpu.memory_space<semaphore_mem>>)
    %slice3A_403 = vector.extract_strided_slice %get3A_322 {offsets = [4], sizes = [1], strides = [1]} : vector<16xi32> to vector<1xi32>
    %squeeze3A_404 = vector.extract %slice3A_403[0] : i32 from vector<1xi32>
    %shift_right_arithmetic3A_405 = arith.constant 4 : i32
    %shift_right_arithmetic3A_406 = arith.shrsi %squeeze3A_404, %shift_right_arithmetic3A_405 : i32
    %shift_left3A_407 = arith.constant 4 : i32
    %shift_left3A_408 = arith.shli %shift_right_arithmetic3A_406, %shift_left3A_407 : i32
    %multiple_of3A_409 = tpu.assume_multiple %shift_left3A_408, 16 : i32
    %add3A_410 = arith.constant 20 : i32
    %add3A_411 = arith.addi %multiple_of3A, %add3A_410 : i32
    %dma_start3A_412 = arith.constant 20 : i32
    %dma_start3A_413 = arith.constant 0 : i32
    %dma_start3A_414 = tpu.memref_slice %arg6[%dma_start3A_412, %dma_start3A_413] : memref<32x16xf32, #tpu.memory_space<vmem>> -> memref<1x16xf32, #tpu.memory_space<vmem>>
    %dma_start3A_415 = tpu.memref_squeeze %dma_start3A_414 : memref<1x16xf32, #tpu.memory_space<vmem>> -> memref<16xf32, #tpu.memory_space<vmem>>
    %dma_start3A_416 = tpu.memref_slice %arg2[%add3A_411, %multiple_of3A_409] : memref<1024x100000xf32, #tpu.memory_space<hbm>> -> memref<1x16xf32, #tpu.memory_space<hbm>>
    %dma_start3A_417 = tpu.memref_squeeze %dma_start3A_416 : memref<1x16xf32, #tpu.memory_space<hbm>> -> memref<16xf32, #tpu.memory_space<hbm>>
    %dma_start3A_418 = arith.constant 0 : i32
    %dma_start3A_419 = tpu.memref_slice %arg6[%dma_start3A_412, %dma_start3A_418] : memref<32x16xf32, #tpu.memory_space<vmem>> -> memref<1x16xf32, #tpu.memory_space<vmem>>
    %dma_start3A_420 = tpu.memref_squeeze %dma_start3A_419 : memref<1x16xf32, #tpu.memory_space<vmem>> -> memref<16xf32, #tpu.memory_space<vmem>>
    %dma_start3A_421 = tpu.memref_slice %arg2[%add3A_411, %multiple_of3A_409] : memref<1024x100000xf32, #tpu.memory_space<hbm>> -> memref<1x16xf32, #tpu.memory_space<hbm>>
    %dma_start3A_422 = tpu.memref_squeeze %dma_start3A_421 : memref<1x16xf32, #tpu.memory_space<hbm>> -> memref<16xf32, #tpu.memory_space<hbm>>
    tpu.enqueue_dma source(%dma_start3A_422 : memref<16xf32, #tpu.memory_space<hbm>>) target(%dma_start3A_420 : memref<16xf32, #tpu.memory_space<vmem>>) target_semaphore(%arg7 : memref<!tpu.dma_semaphore, #tpu.memory_space<semaphore_mem>>)
    %slice3A_423 = vector.extract_strided_slice %get3A_322 {offsets = [5], sizes = [1], strides = [1]} : vector<16xi32> to vector<1xi32>
    %squeeze3A_424 = vector.extract %slice3A_423[0] : i32 from vector<1xi32>
    %shift_right_arithmetic3A_425 = arith.constant 4 : i32
    %shift_right_arithmetic3A_426 = arith.shrsi %squeeze3A_424, %shift_right_arithmetic3A_425 : i32
    %shift_left3A_427 = arith.constant 4 : i32
    %shift_left3A_428 = arith.shli %shift_right_arithmetic3A_426, %shift_left3A_427 : i32
    %multiple_of3A_429 = tpu.assume_multiple %shift_left3A_428, 16 : i32
    %add3A_430 = arith.constant 21 : i32
    %add3A_431 = arith.addi %multiple_of3A, %add3A_430 : i32
    %dma_start3A_432 = arith.constant 21 : i32
    %dma_start3A_433 = arith.constant 0 : i32
    %dma_start3A_434 = tpu.memref_slice %arg6[%dma_start3A_432, %dma_start3A_433] : memref<32x16xf32, #tpu.memory_space<vmem>> -> memref<1x16xf32, #tpu.memory_space<vmem>>
    %dma_start3A_435 = tpu.memref_squeeze %dma_start3A_434 : memref<1x16xf32, #tpu.memory_space<vmem>> -> memref<16xf32, #tpu.memory_space<vmem>>
    %dma_start3A_436 = tpu.memref_slice %arg2[%add3A_431, %multiple_of3A_429] : memref<1024x100000xf32, #tpu.memory_space<hbm>> -> memref<1x16xf32, #tpu.memory_space<hbm>>
    %dma_start3A_437 = tpu.memref_squeeze %dma_start3A_436 : memref<1x16xf32, #tpu.memory_space<hbm>> -> memref<16xf32, #tpu.memory_space<hbm>>
    %dma_start3A_438 = arith.constant 0 : i32
    %dma_start3A_439 = tpu.memref_slice %arg6[%dma_start3A_432, %dma_start3A_438] : memref<32x16xf32, #tpu.memory_space<vmem>> -> memref<1x16xf32, #tpu.memory_space<vmem>>
    %dma_start3A_440 = tpu.memref_squeeze %dma_start3A_439 : memref<1x16xf32, #tpu.memory_space<vmem>> -> memref<16xf32, #tpu.memory_space<vmem>>
    %dma_start3A_441 = tpu.memref_slice %arg2[%add3A_431, %multiple_of3A_429] : memref<1024x100000xf32, #tpu.memory_space<hbm>> -> memref<1x16xf32, #tpu.memory_space<hbm>>
    %dma_start3A_442 = tpu.memref_squeeze %dma_start3A_441 : memref<1x16xf32, #tpu.memory_space<hbm>> -> memref<16xf32, #tpu.memory_space<hbm>>
    tpu.enqueue_dma source(%dma_start3A_442 : memref<16xf32, #tpu.memory_space<hbm>>) target(%dma_start3A_440 : memref<16xf32, #tpu.memory_space<vmem>>) target_semaphore(%arg7 : memref<!tpu.dma_semaphore, #tpu.memory_space<semaphore_mem>>)
    %slice3A_443 = vector.extract_strided_slice %get3A_322 {offsets = [6], sizes = [1], strides = [1]} : vector<16xi32> to vector<1xi32>
    %squeeze3A_444 = vector.extract %slice3A_443[0] : i32 from vector<1xi32>
    %shift_right_arithmetic3A_445 = arith.constant 4 : i32
    %shift_right_arithmetic3A_446 = arith.shrsi %squeeze3A_444, %shift_right_arithmetic3A_445 : i32
    %shift_left3A_447 = arith.constant 4 : i32
    %shift_left3A_448 = arith.shli %shift_right_arithmetic3A_446, %shift_left3A_447 : i32
    %multiple_of3A_449 = tpu.assume_multiple %shift_left3A_448, 16 : i32
    %add3A_450 = arith.constant 22 : i32
    %add3A_451 = arith.addi %multiple_of3A, %add3A_450 : i32
    %dma_start3A_452 = arith.constant 22 : i32
    %dma_start3A_453 = arith.constant 0 : i32
    %dma_start3A_454 = tpu.memref_slice %arg6[%dma_start3A_452, %dma_start3A_453] : memref<32x16xf32, #tpu.memory_space<vmem>> -> memref<1x16xf32, #tpu.memory_space<vmem>>
    %dma_start3A_455 = tpu.memref_squeeze %dma_start3A_454 : memref<1x16xf32, #tpu.memory_space<vmem>> -> memref<16xf32, #tpu.memory_space<vmem>>
    %dma_start3A_456 = tpu.memref_slice %arg2[%add3A_451, %multiple_of3A_449] : memref<1024x100000xf32, #tpu.memory_space<hbm>> -> memref<1x16xf32, #tpu.memory_space<hbm>>
    %dma_start3A_457 = tpu.memref_squeeze %dma_start3A_456 : memref<1x16xf32, #tpu.memory_space<hbm>> -> memref<16xf32, #tpu.memory_space<hbm>>
    %dma_start3A_458 = arith.constant 0 : i32
    %dma_start3A_459 = tpu.memref_slice %arg6[%dma_start3A_452, %dma_start3A_458] : memref<32x16xf32, #tpu.memory_space<vmem>> -> memref<1x16xf32, #tpu.memory_space<vmem>>
    %dma_start3A_460 = tpu.memref_squeeze %dma_start3A_459 : memref<1x16xf32, #tpu.memory_space<vmem>> -> memref<16xf32, #tpu.memory_space<vmem>>
    %dma_start3A_461 = tpu.memref_slice %arg2[%add3A_451, %multiple_of3A_449] : memref<1024x100000xf32, #tpu.memory_space<hbm>> -> memref<1x16xf32, #tpu.memory_space<hbm>>
    %dma_start3A_462 = tpu.memref_squeeze %dma_start3A_461 : memref<1x16xf32, #tpu.memory_space<hbm>> -> memref<16xf32, #tpu.memory_space<hbm>>
    tpu.enqueue_dma source(%dma_start3A_462 : memref<16xf32, #tpu.memory_space<hbm>>) target(%dma_start3A_460 : memref<16xf32, #tpu.memory_space<vmem>>) target_semaphore(%arg7 : memref<!tpu.dma_semaphore, #tpu.memory_space<semaphore_mem>>)
    %slice3A_463 = vector.extract_strided_slice %get3A_322 {offsets = [7], sizes = [1], strides = [1]} : vector<16xi32> to vector<1xi32>
    %squeeze3A_464 = vector.extract %slice3A_463[0] : i32 from vector<1xi32>
    %shift_right_arithmetic3A_465 = arith.constant 4 : i32
    %shift_right_arithmetic3A_466 = arith.shrsi %squeeze3A_464, %shift_right_arithmetic3A_465 : i32
    %shift_left3A_467 = arith.constant 4 : i32
    %shift_left3A_468 = arith.shli %shift_right_arithmetic3A_466, %shift_left3A_467 : i32
    %multiple_of3A_469 = tpu.assume_multiple %shift_left3A_468, 16 : i32
    %add3A_470 = arith.constant 23 : i32
    %add3A_471 = arith.addi %multiple_of3A, %add3A_470 : i32
    %dma_start3A_472 = arith.constant 23 : i32
    %dma_start3A_473 = arith.constant 0 : i32
    %dma_start3A_474 = tpu.memref_slice %arg6[%dma_start3A_472, %dma_start3A_473] : memref<32x16xf32, #tpu.memory_space<vmem>> -> memref<1x16xf32, #tpu.memory_space<vmem>>
    %dma_start3A_475 = tpu.memref_squeeze %dma_start3A_474 : memref<1x16xf32, #tpu.memory_space<vmem>> -> memref<16xf32, #tpu.memory_space<vmem>>
    %dma_start3A_476 = tpu.memref_slice %arg2[%add3A_471, %multiple_of3A_469] : memref<1024x100000xf32, #tpu.memory_space<hbm>> -> memref<1x16xf32, #tpu.memory_space<hbm>>
    %dma_start3A_477 = tpu.memref_squeeze %dma_start3A_476 : memref<1x16xf32, #tpu.memory_space<hbm>> -> memref<16xf32, #tpu.memory_space<hbm>>
    %dma_start3A_478 = arith.constant 0 : i32
    %dma_start3A_479 = tpu.memref_slice %arg6[%dma_start3A_472, %dma_start3A_478] : memref<32x16xf32, #tpu.memory_space<vmem>> -> memref<1x16xf32, #tpu.memory_space<vmem>>
    %dma_start3A_480 = tpu.memref_squeeze %dma_start3A_479 : memref<1x16xf32, #tpu.memory_space<vmem>> -> memref<16xf32, #tpu.memory_space<vmem>>
    %dma_start3A_481 = tpu.memref_slice %arg2[%add3A_471, %multiple_of3A_469] : memref<1024x100000xf32, #tpu.memory_space<hbm>> -> memref<1x16xf32, #tpu.memory_space<hbm>>
    %dma_start3A_482 = tpu.memref_squeeze %dma_start3A_481 : memref<1x16xf32, #tpu.memory_space<hbm>> -> memref<16xf32, #tpu.memory_space<hbm>>
    tpu.enqueue_dma source(%dma_start3A_482 : memref<16xf32, #tpu.memory_space<hbm>>) target(%dma_start3A_480 : memref<16xf32, #tpu.memory_space<vmem>>) target_semaphore(%arg7 : memref<!tpu.dma_semaphore, #tpu.memory_space<semaphore_mem>>)
    %slice3A_483 = vector.extract_strided_slice %get3A_322 {offsets = [8], sizes = [1], strides = [1]} : vector<16xi32> to vector<1xi32>
    %squeeze3A_484 = vector.extract %slice3A_483[0] : i32 from vector<1xi32>
    %shift_right_arithmetic3A_485 = arith.constant 4 : i32
    %shift_right_arithmetic3A_486 = arith.shrsi %squeeze3A_484, %shift_right_arithmetic3A_485 : i32
    %shift_left3A_487 = arith.constant 4 : i32
    %shift_left3A_488 = arith.shli %shift_right_arithmetic3A_486, %shift_left3A_487 : i32
    %multiple_of3A_489 = tpu.assume_multiple %shift_left3A_488, 16 : i32
    %add3A_490 = arith.constant 24 : i32
    %add3A_491 = arith.addi %multiple_of3A, %add3A_490 : i32
    %dma_start3A_492 = arith.constant 24 : i32
    %dma_start3A_493 = arith.constant 0 : i32
    %dma_start3A_494 = tpu.memref_slice %arg6[%dma_start3A_492, %dma_start3A_493] : memref<32x16xf32, #tpu.memory_space<vmem>> -> memref<1x16xf32, #tpu.memory_space<vmem>>
    %dma_start3A_495 = tpu.memref_squeeze %dma_start3A_494 : memref<1x16xf32, #tpu.memory_space<vmem>> -> memref<16xf32, #tpu.memory_space<vmem>>
    %dma_start3A_496 = tpu.memref_slice %arg2[%add3A_491, %multiple_of3A_489] : memref<1024x100000xf32, #tpu.memory_space<hbm>> -> memref<1x16xf32, #tpu.memory_space<hbm>>
    %dma_start3A_497 = tpu.memref_squeeze %dma_start3A_496 : memref<1x16xf32, #tpu.memory_space<hbm>> -> memref<16xf32, #tpu.memory_space<hbm>>
    %dma_start3A_498 = arith.constant 0 : i32
    %dma_start3A_499 = tpu.memref_slice %arg6[%dma_start3A_492, %dma_start3A_498] : memref<32x16xf32, #tpu.memory_space<vmem>> -> memref<1x16xf32, #tpu.memory_space<vmem>>
    %dma_start3A_500 = tpu.memref_squeeze %dma_start3A_499 : memref<1x16xf32, #tpu.memory_space<vmem>> -> memref<16xf32, #tpu.memory_space<vmem>>
    %dma_start3A_501 = tpu.memref_slice %arg2[%add3A_491, %multiple_of3A_489] : memref<1024x100000xf32, #tpu.memory_space<hbm>> -> memref<1x16xf32, #tpu.memory_space<hbm>>
    %dma_start3A_502 = tpu.memref_squeeze %dma_start3A_501 : memref<1x16xf32, #tpu.memory_space<hbm>> -> memref<16xf32, #tpu.memory_space<hbm>>
    tpu.enqueue_dma source(%dma_start3A_502 : memref<16xf32, #tpu.memory_space<hbm>>) target(%dma_start3A_500 : memref<16xf32, #tpu.memory_space<vmem>>) target_semaphore(%arg7 : memref<!tpu.dma_semaphore, #tpu.memory_space<semaphore_mem>>)
    %slice3A_503 = vector.extract_strided_slice %get3A_322 {offsets = [9], sizes = [1], strides = [1]} : vector<16xi32> to vector<1xi32>
    %squeeze3A_504 = vector.extract %slice3A_503[0] : i32 from vector<1xi32>
    %shift_right_arithmetic3A_505 = arith.constant 4 : i32
    %shift_right_arithmetic3A_506 = arith.shrsi %squeeze3A_504, %shift_right_arithmetic3A_505 : i32
    %shift_left3A_507 = arith.constant 4 : i32
    %shift_left3A_508 = arith.shli %shift_right_arithmetic3A_506, %shift_left3A_507 : i32
    %multiple_of3A_509 = tpu.assume_multiple %shift_left3A_508, 16 : i32
    %add3A_510 = arith.constant 25 : i32
    %add3A_511 = arith.addi %multiple_of3A, %add3A_510 : i32
    %dma_start3A_512 = arith.constant 25 : i32
    %dma_start3A_513 = arith.constant 0 : i32
    %dma_start3A_514 = tpu.memref_slice %arg6[%dma_start3A_512, %dma_start3A_513] : memref<32x16xf32, #tpu.memory_space<vmem>> -> memref<1x16xf32, #tpu.memory_space<vmem>>
    %dma_start3A_515 = tpu.memref_squeeze %dma_start3A_514 : memref<1x16xf32, #tpu.memory_space<vmem>> -> memref<16xf32, #tpu.memory_space<vmem>>
    %dma_start3A_516 = tpu.memref_slice %arg2[%add3A_511, %multiple_of3A_509] : memref<1024x100000xf32, #tpu.memory_space<hbm>> -> memref<1x16xf32, #tpu.memory_space<hbm>>
    %dma_start3A_517 = tpu.memref_squeeze %dma_start3A_516 : memref<1x16xf32, #tpu.memory_space<hbm>> -> memref<16xf32, #tpu.memory_space<hbm>>
    %dma_start3A_518 = arith.constant 0 : i32
    %dma_start3A_519 = tpu.memref_slice %arg6[%dma_start3A_512, %dma_start3A_518] : memref<32x16xf32, #tpu.memory_space<vmem>> -> memref<1x16xf32, #tpu.memory_space<vmem>>
    %dma_start3A_520 = tpu.memref_squeeze %dma_start3A_519 : memref<1x16xf32, #tpu.memory_space<vmem>> -> memref<16xf32, #tpu.memory_space<vmem>>
    %dma_start3A_521 = tpu.memref_slice %arg2[%add3A_511, %multiple_of3A_509] : memref<1024x100000xf32, #tpu.memory_space<hbm>> -> memref<1x16xf32, #tpu.memory_space<hbm>>
    %dma_start3A_522 = tpu.memref_squeeze %dma_start3A_521 : memref<1x16xf32, #tpu.memory_space<hbm>> -> memref<16xf32, #tpu.memory_space<hbm>>
    tpu.enqueue_dma source(%dma_start3A_522 : memref<16xf32, #tpu.memory_space<hbm>>) target(%dma_start3A_520 : memref<16xf32, #tpu.memory_space<vmem>>) target_semaphore(%arg7 : memref<!tpu.dma_semaphore, #tpu.memory_space<semaphore_mem>>)
    %slice3A_523 = vector.extract_strided_slice %get3A_322 {offsets = [10], sizes = [1], strides = [1]} : vector<16xi32> to vector<1xi32>
    %squeeze3A_524 = vector.extract %slice3A_523[0] : i32 from vector<1xi32>
    %shift_right_arithmetic3A_525 = arith.constant 4 : i32
    %shift_right_arithmetic3A_526 = arith.shrsi %squeeze3A_524, %shift_right_arithmetic3A_525 : i32
    %shift_left3A_527 = arith.constant 4 : i32
    %shift_left3A_528 = arith.shli %shift_right_arithmetic3A_526, %shift_left3A_527 : i32
    %multiple_of3A_529 = tpu.assume_multiple %shift_left3A_528, 16 : i32
    %add3A_530 = arith.constant 26 : i32
    %add3A_531 = arith.addi %multiple_of3A, %add3A_530 : i32
    %dma_start3A_532 = arith.constant 26 : i32
    %dma_start3A_533 = arith.constant 0 : i32
    %dma_start3A_534 = tpu.memref_slice %arg6[%dma_start3A_532, %dma_start3A_533] : memref<32x16xf32, #tpu.memory_space<vmem>> -> memref<1x16xf32, #tpu.memory_space<vmem>>
    %dma_start3A_535 = tpu.memref_squeeze %dma_start3A_534 : memref<1x16xf32, #tpu.memory_space<vmem>> -> memref<16xf32, #tpu.memory_space<vmem>>
    %dma_start3A_536 = tpu.memref_slice %arg2[%add3A_531, %multiple_of3A_529] : memref<1024x100000xf32, #tpu.memory_space<hbm>> -> memref<1x16xf32, #tpu.memory_space<hbm>>
    %dma_start3A_537 = tpu.memref_squeeze %dma_start3A_536 : memref<1x16xf32, #tpu.memory_space<hbm>> -> memref<16xf32, #tpu.memory_space<hbm>>
    %dma_start3A_538 = arith.constant 0 : i32
    %dma_start3A_539 = tpu.memref_slice %arg6[%dma_start3A_532, %dma_start3A_538] : memref<32x16xf32, #tpu.memory_space<vmem>> -> memref<1x16xf32, #tpu.memory_space<vmem>>
    %dma_start3A_540 = tpu.memref_squeeze %dma_start3A_539 : memref<1x16xf32, #tpu.memory_space<vmem>> -> memref<16xf32, #tpu.memory_space<vmem>>
    %dma_start3A_541 = tpu.memref_slice %arg2[%add3A_531, %multiple_of3A_529] : memref<1024x100000xf32, #tpu.memory_space<hbm>> -> memref<1x16xf32, #tpu.memory_space<hbm>>
    %dma_start3A_542 = tpu.memref_squeeze %dma_start3A_541 : memref<1x16xf32, #tpu.memory_space<hbm>> -> memref<16xf32, #tpu.memory_space<hbm>>
    tpu.enqueue_dma source(%dma_start3A_542 : memref<16xf32, #tpu.memory_space<hbm>>) target(%dma_start3A_540 : memref<16xf32, #tpu.memory_space<vmem>>) target_semaphore(%arg7 : memref<!tpu.dma_semaphore, #tpu.memory_space<semaphore_mem>>)
    %slice3A_543 = vector.extract_strided_slice %get3A_322 {offsets = [11], sizes = [1], strides = [1]} : vector<16xi32> to vector<1xi32>
    %squeeze3A_544 = vector.extract %slice3A_543[0] : i32 from vector<1xi32>
    %shift_right_arithmetic3A_545 = arith.constant 4 : i32
    %shift_right_arithmetic3A_546 = arith.shrsi %squeeze3A_544, %shift_right_arithmetic3A_545 : i32
    %shift_left3A_547 = arith.constant 4 : i32
    %shift_left3A_548 = arith.shli %shift_right_arithmetic3A_546, %shift_left3A_547 : i32
    %multiple_of3A_549 = tpu.assume_multiple %shift_left3A_548, 16 : i32
    %add3A_550 = arith.constant 27 : i32
    %add3A_551 = arith.addi %multiple_of3A, %add3A_550 : i32
    %dma_start3A_552 = arith.constant 27 : i32
    %dma_start3A_553 = arith.constant 0 : i32
    %dma_start3A_554 = tpu.memref_slice %arg6[%dma_start3A_552, %dma_start3A_553] : memref<32x16xf32, #tpu.memory_space<vmem>> -> memref<1x16xf32, #tpu.memory_space<vmem>>
    %dma_start3A_555 = tpu.memref_squeeze %dma_start3A_554 : memref<1x16xf32, #tpu.memory_space<vmem>> -> memref<16xf32, #tpu.memory_space<vmem>>
    %dma_start3A_556 = tpu.memref_slice %arg2[%add3A_551, %multiple_of3A_549] : memref<1024x100000xf32, #tpu.memory_space<hbm>> -> memref<1x16xf32, #tpu.memory_space<hbm>>
    %dma_start3A_557 = tpu.memref_squeeze %dma_start3A_556 : memref<1x16xf32, #tpu.memory_space<hbm>> -> memref<16xf32, #tpu.memory_space<hbm>>
    %dma_start3A_558 = arith.constant 0 : i32
    %dma_start3A_559 = tpu.memref_slice %arg6[%dma_start3A_552, %dma_start3A_558] : memref<32x16xf32, #tpu.memory_space<vmem>> -> memref<1x16xf32, #tpu.memory_space<vmem>>
    %dma_start3A_560 = tpu.memref_squeeze %dma_start3A_559 : memref<1x16xf32, #tpu.memory_space<vmem>> -> memref<16xf32, #tpu.memory_space<vmem>>
    %dma_start3A_561 = tpu.memref_slice %arg2[%add3A_551, %multiple_of3A_549] : memref<1024x100000xf32, #tpu.memory_space<hbm>> -> memref<1x16xf32, #tpu.memory_space<hbm>>
    %dma_start3A_562 = tpu.memref_squeeze %dma_start3A_561 : memref<1x16xf32, #tpu.memory_space<hbm>> -> memref<16xf32, #tpu.memory_space<hbm>>
    tpu.enqueue_dma source(%dma_start3A_562 : memref<16xf32, #tpu.memory_space<hbm>>) target(%dma_start3A_560 : memref<16xf32, #tpu.memory_space<vmem>>) target_semaphore(%arg7 : memref<!tpu.dma_semaphore, #tpu.memory_space<semaphore_mem>>)
    %slice3A_563 = vector.extract_strided_slice %get3A_322 {offsets = [12], sizes = [1], strides = [1]} : vector<16xi32> to vector<1xi32>
    %squeeze3A_564 = vector.extract %slice3A_563[0] : i32 from vector<1xi32>
    %shift_right_arithmetic3A_565 = arith.constant 4 : i32
    %shift_right_arithmetic3A_566 = arith.shrsi %squeeze3A_564, %shift_right_arithmetic3A_565 : i32
    %shift_left3A_567 = arith.constant 4 : i32
    %shift_left3A_568 = arith.shli %shift_right_arithmetic3A_566, %shift_left3A_567 : i32
    %multiple_of3A_569 = tpu.assume_multiple %shift_left3A_568, 16 : i32
    %add3A_570 = arith.constant 28 : i32
    %add3A_571 = arith.addi %multiple_of3A, %add3A_570 : i32
    %dma_start3A_572 = arith.constant 28 : i32
    %dma_start3A_573 = arith.constant 0 : i32
    %dma_start3A_574 = tpu.memref_slice %arg6[%dma_start3A_572, %dma_start3A_573] : memref<32x16xf32, #tpu.memory_space<vmem>> -> memref<1x16xf32, #tpu.memory_space<vmem>>
    %dma_start3A_575 = tpu.memref_squeeze %dma_start3A_574 : memref<1x16xf32, #tpu.memory_space<vmem>> -> memref<16xf32, #tpu.memory_space<vmem>>
    %dma_start3A_576 = tpu.memref_slice %arg2[%add3A_571, %multiple_of3A_569] : memref<1024x100000xf32, #tpu.memory_space<hbm>> -> memref<1x16xf32, #tpu.memory_space<hbm>>
    %dma_start3A_577 = tpu.memref_squeeze %dma_start3A_576 : memref<1x16xf32, #tpu.memory_space<hbm>> -> memref<16xf32, #tpu.memory_space<hbm>>
    %dma_start3A_578 = arith.constant 0 : i32
    %dma_start3A_579 = tpu.memref_slice %arg6[%dma_start3A_572, %dma_start3A_578] : memref<32x16xf32, #tpu.memory_space<vmem>> -> memref<1x16xf32, #tpu.memory_space<vmem>>
    %dma_start3A_580 = tpu.memref_squeeze %dma_start3A_579 : memref<1x16xf32, #tpu.memory_space<vmem>> -> memref<16xf32, #tpu.memory_space<vmem>>
    %dma_start3A_581 = tpu.memref_slice %arg2[%add3A_571, %multiple_of3A_569] : memref<1024x100000xf32, #tpu.memory_space<hbm>> -> memref<1x16xf32, #tpu.memory_space<hbm>>
    %dma_start3A_582 = tpu.memref_squeeze %dma_start3A_581 : memref<1x16xf32, #tpu.memory_space<hbm>> -> memref<16xf32, #tpu.memory_space<hbm>>
    tpu.enqueue_dma source(%dma_start3A_582 : memref<16xf32, #tpu.memory_space<hbm>>) target(%dma_start3A_580 : memref<16xf32, #tpu.memory_space<vmem>>) target_semaphore(%arg7 : memref<!tpu.dma_semaphore, #tpu.memory_space<semaphore_mem>>)
    %slice3A_583 = vector.extract_strided_slice %get3A_322 {offsets = [13], sizes = [1], strides = [1]} : vector<16xi32> to vector<1xi32>
    %squeeze3A_584 = vector.extract %slice3A_583[0] : i32 from vector<1xi32>
    %shift_right_arithmetic3A_585 = arith.constant 4 : i32
    %shift_right_arithmetic3A_586 = arith.shrsi %squeeze3A_584, %shift_right_arithmetic3A_585 : i32
    %shift_left3A_587 = arith.constant 4 : i32
    %shift_left3A_588 = arith.shli %shift_right_arithmetic3A_586, %shift_left3A_587 : i32
    %multiple_of3A_589 = tpu.assume_multiple %shift_left3A_588, 16 : i32
    %add3A_590 = arith.constant 29 : i32
    %add3A_591 = arith.addi %multiple_of3A, %add3A_590 : i32
    %dma_start3A_592 = arith.constant 29 : i32
    %dma_start3A_593 = arith.constant 0 : i32
    %dma_start3A_594 = tpu.memref_slice %arg6[%dma_start3A_592, %dma_start3A_593] : memref<32x16xf32, #tpu.memory_space<vmem>> -> memref<1x16xf32, #tpu.memory_space<vmem>>
    %dma_start3A_595 = tpu.memref_squeeze %dma_start3A_594 : memref<1x16xf32, #tpu.memory_space<vmem>> -> memref<16xf32, #tpu.memory_space<vmem>>
    %dma_start3A_596 = tpu.memref_slice %arg2[%add3A_591, %multiple_of3A_589] : memref<1024x100000xf32, #tpu.memory_space<hbm>> -> memref<1x16xf32, #tpu.memory_space<hbm>>
    %dma_start3A_597 = tpu.memref_squeeze %dma_start3A_596 : memref<1x16xf32, #tpu.memory_space<hbm>> -> memref<16xf32, #tpu.memory_space<hbm>>
    %dma_start3A_598 = arith.constant 0 : i32
    %dma_start3A_599 = tpu.memref_slice %arg6[%dma_start3A_592, %dma_start3A_598] : memref<32x16xf32, #tpu.memory_space<vmem>> -> memref<1x16xf32, #tpu.memory_space<vmem>>
    %dma_start3A_600 = tpu.memref_squeeze %dma_start3A_599 : memref<1x16xf32, #tpu.memory_space<vmem>> -> memref<16xf32, #tpu.memory_space<vmem>>
    %dma_start3A_601 = tpu.memref_slice %arg2[%add3A_591, %multiple_of3A_589] : memref<1024x100000xf32, #tpu.memory_space<hbm>> -> memref<1x16xf32, #tpu.memory_space<hbm>>
    %dma_start3A_602 = tpu.memref_squeeze %dma_start3A_601 : memref<1x16xf32, #tpu.memory_space<hbm>> -> memref<16xf32, #tpu.memory_space<hbm>>
    tpu.enqueue_dma source(%dma_start3A_602 : memref<16xf32, #tpu.memory_space<hbm>>) target(%dma_start3A_600 : memref<16xf32, #tpu.memory_space<vmem>>) target_semaphore(%arg7 : memref<!tpu.dma_semaphore, #tpu.memory_space<semaphore_mem>>)
    %slice3A_603 = vector.extract_strided_slice %get3A_322 {offsets = [14], sizes = [1], strides = [1]} : vector<16xi32> to vector<1xi32>
    %squeeze3A_604 = vector.extract %slice3A_603[0] : i32 from vector<1xi32>
    %shift_right_arithmetic3A_605 = arith.constant 4 : i32
    %shift_right_arithmetic3A_606 = arith.shrsi %squeeze3A_604, %shift_right_arithmetic3A_605 : i32
    %shift_left3A_607 = arith.constant 4 : i32
    %shift_left3A_608 = arith.shli %shift_right_arithmetic3A_606, %shift_left3A_607 : i32
    %multiple_of3A_609 = tpu.assume_multiple %shift_left3A_608, 16 : i32
    %add3A_610 = arith.constant 30 : i32
    %add3A_611 = arith.addi %multiple_of3A, %add3A_610 : i32
    %dma_start3A_612 = arith.constant 30 : i32
    %dma_start3A_613 = arith.constant 0 : i32
    %dma_start3A_614 = tpu.memref_slice %arg6[%dma_start3A_612, %dma_start3A_613] : memref<32x16xf32, #tpu.memory_space<vmem>> -> memref<1x16xf32, #tpu.memory_space<vmem>>
    %dma_start3A_615 = tpu.memref_squeeze %dma_start3A_614 : memref<1x16xf32, #tpu.memory_space<vmem>> -> memref<16xf32, #tpu.memory_space<vmem>>
    %dma_start3A_616 = tpu.memref_slice %arg2[%add3A_611, %multiple_of3A_609] : memref<1024x100000xf32, #tpu.memory_space<hbm>> -> memref<1x16xf32, #tpu.memory_space<hbm>>
    %dma_start3A_617 = tpu.memref_squeeze %dma_start3A_616 : memref<1x16xf32, #tpu.memory_space<hbm>> -> memref<16xf32, #tpu.memory_space<hbm>>
    %dma_start3A_618 = arith.constant 0 : i32
    %dma_start3A_619 = tpu.memref_slice %arg6[%dma_start3A_612, %dma_start3A_618] : memref<32x16xf32, #tpu.memory_space<vmem>> -> memref<1x16xf32, #tpu.memory_space<vmem>>
    %dma_start3A_620 = tpu.memref_squeeze %dma_start3A_619 : memref<1x16xf32, #tpu.memory_space<vmem>> -> memref<16xf32, #tpu.memory_space<vmem>>
    %dma_start3A_621 = tpu.memref_slice %arg2[%add3A_611, %multiple_of3A_609] : memref<1024x100000xf32, #tpu.memory_space<hbm>> -> memref<1x16xf32, #tpu.memory_space<hbm>>
    %dma_start3A_622 = tpu.memref_squeeze %dma_start3A_621 : memref<1x16xf32, #tpu.memory_space<hbm>> -> memref<16xf32, #tpu.memory_space<hbm>>
    tpu.enqueue_dma source(%dma_start3A_622 : memref<16xf32, #tpu.memory_space<hbm>>) target(%dma_start3A_620 : memref<16xf32, #tpu.memory_space<vmem>>) target_semaphore(%arg7 : memref<!tpu.dma_semaphore, #tpu.memory_space<semaphore_mem>>)
    %slice3A_623 = vector.extract_strided_slice %get3A_322 {offsets = [15], sizes = [1], strides = [1]} : vector<16xi32> to vector<1xi32>
    %squeeze3A_624 = vector.extract %slice3A_623[0] : i32 from vector<1xi32>
    %shift_right_arithmetic3A_625 = arith.constant 4 : i32
    %shift_right_arithmetic3A_626 = arith.shrsi %squeeze3A_624, %shift_right_arithmetic3A_625 : i32
    %shift_left3A_627 = arith.constant 4 : i32
    %shift_left3A_628 = arith.shli %shift_right_arithmetic3A_626, %shift_left3A_627 : i32
    %multiple_of3A_629 = tpu.assume_multiple %shift_left3A_628, 16 : i32
    %add3A_630 = arith.constant 31 : i32
    %add3A_631 = arith.addi %multiple_of3A, %add3A_630 : i32
    %dma_start3A_632 = arith.constant 31 : i32
    %dma_start3A_633 = arith.constant 0 : i32
    %dma_start3A_634 = tpu.memref_slice %arg6[%dma_start3A_632, %dma_start3A_633] : memref<32x16xf32, #tpu.memory_space<vmem>> -> memref<1x16xf32, #tpu.memory_space<vmem>>
    %dma_start3A_635 = tpu.memref_squeeze %dma_start3A_634 : memref<1x16xf32, #tpu.memory_space<vmem>> -> memref<16xf32, #tpu.memory_space<vmem>>
    %dma_start3A_636 = tpu.memref_slice %arg2[%add3A_631, %multiple_of3A_629] : memref<1024x100000xf32, #tpu.memory_space<hbm>> -> memref<1x16xf32, #tpu.memory_space<hbm>>
    %dma_start3A_637 = tpu.memref_squeeze %dma_start3A_636 : memref<1x16xf32, #tpu.memory_space<hbm>> -> memref<16xf32, #tpu.memory_space<hbm>>
    %dma_start3A_638 = arith.constant 0 : i32
    %dma_start3A_639 = tpu.memref_slice %arg6[%dma_start3A_632, %dma_start3A_638] : memref<32x16xf32, #tpu.memory_space<vmem>> -> memref<1x16xf32, #tpu.memory_space<vmem>>
    %dma_start3A_640 = tpu.memref_squeeze %dma_start3A_639 : memref<1x16xf32, #tpu.memory_space<vmem>> -> memref<16xf32, #tpu.memory_space<vmem>>
    %dma_start3A_641 = tpu.memref_slice %arg2[%add3A_631, %multiple_of3A_629] : memref<1024x100000xf32, #tpu.memory_space<hbm>> -> memref<1x16xf32, #tpu.memory_space<hbm>>
    %dma_start3A_642 = tpu.memref_squeeze %dma_start3A_641 : memref<1x16xf32, #tpu.memory_space<hbm>> -> memref<16xf32, #tpu.memory_space<hbm>>
    tpu.enqueue_dma source(%dma_start3A_642 : memref<16xf32, #tpu.memory_space<hbm>>) target(%dma_start3A_640 : memref<16xf32, #tpu.memory_space<vmem>>) target_semaphore(%arg7 : memref<!tpu.dma_semaphore, #tpu.memory_space<semaphore_mem>>)
    %dma_wait3A = arith.constant 0 : i32
    %dma_wait3A_643 = arith.constant 0 : i32
    %dma_wait3A_644 = tpu.memref_slice %arg6[%dma_wait3A, %dma_wait3A_643] : memref<32x16xf32, #tpu.memory_space<vmem>> -> memref<1x16xf32, #tpu.memory_space<vmem>>
    %dma_wait3A_645 = tpu.memref_squeeze %dma_wait3A_644 : memref<1x16xf32, #tpu.memory_space<vmem>> -> memref<16xf32, #tpu.memory_space<vmem>>
    %dma_wait3A_646 = tpu.memref_slice %arg2[%add3A_9, %multiple_of3A_7] : memref<1024x100000xf32, #tpu.memory_space<hbm>> -> memref<1x16xf32, #tpu.memory_space<hbm>>
    %dma_wait3A_647 = tpu.memref_squeeze %dma_wait3A_646 : memref<1x16xf32, #tpu.memory_space<hbm>> -> memref<16xf32, #tpu.memory_space<hbm>>
    %dma_wait3A_648 = arith.constant 0 : i32
    %dma_wait3A_649 = tpu.memref_slice %arg6[%dma_wait3A, %dma_wait3A_648] : memref<32x16xf32, #tpu.memory_space<vmem>> -> memref<1x16xf32, #tpu.memory_space<vmem>>
    %dma_wait3A_650 = tpu.memref_squeeze %dma_wait3A_649 : memref<1x16xf32, #tpu.memory_space<vmem>> -> memref<16xf32, #tpu.memory_space<vmem>>
    %dma_wait3A_651 = tpu.memref_slice %arg2[%add3A_9, %multiple_of3A_7] : memref<1024x100000xf32, #tpu.memory_space<hbm>> -> memref<1x16xf32, #tpu.memory_space<hbm>>
    %dma_wait3A_652 = tpu.memref_squeeze %dma_wait3A_651 : memref<1x16xf32, #tpu.memory_space<hbm>> -> memref<16xf32, #tpu.memory_space<hbm>>
    tpu.wait_dma2 semaphore(%arg7 : memref<!tpu.dma_semaphore, #tpu.memory_space<semaphore_mem>>) src(%dma_wait3A_652 : memref<16xf32, #tpu.memory_space<hbm>>) dst(%dma_wait3A_650 : memref<16xf32, #tpu.memory_space<vmem>>)
    %dma_wait3A_653 = arith.constant 1 : i32
    %dma_wait3A_654 = arith.constant 0 : i32
    %dma_wait3A_655 = tpu.memref_slice %arg6[%dma_wait3A_653, %dma_wait3A_654] : memref<32x16xf32, #tpu.memory_space<vmem>> -> memref<1x16xf32, #tpu.memory_space<vmem>>
    %dma_wait3A_656 = tpu.memref_squeeze %dma_wait3A_655 : memref<1x16xf32, #tpu.memory_space<vmem>> -> memref<16xf32, #tpu.memory_space<vmem>>
    %dma_wait3A_657 = tpu.memref_slice %arg2[%add3A_28, %multiple_of3A_26] : memref<1024x100000xf32, #tpu.memory_space<hbm>> -> memref<1x16xf32, #tpu.memory_space<hbm>>
    %dma_wait3A_658 = tpu.memref_squeeze %dma_wait3A_657 : memref<1x16xf32, #tpu.memory_space<hbm>> -> memref<16xf32, #tpu.memory_space<hbm>>
    %dma_wait3A_659 = arith.constant 0 : i32
    %dma_wait3A_660 = tpu.memref_slice %arg6[%dma_wait3A_653, %dma_wait3A_659] : memref<32x16xf32, #tpu.memory_space<vmem>> -> memref<1x16xf32, #tpu.memory_space<vmem>>
    %dma_wait3A_661 = tpu.memref_squeeze %dma_wait3A_660 : memref<1x16xf32, #tpu.memory_space<vmem>> -> memref<16xf32, #tpu.memory_space<vmem>>
    %dma_wait3A_662 = tpu.memref_slice %arg2[%add3A_28, %multiple_of3A_26] : memref<1024x100000xf32, #tpu.memory_space<hbm>> -> memref<1x16xf32, #tpu.memory_space<hbm>>
    %dma_wait3A_663 = tpu.memref_squeeze %dma_wait3A_662 : memref<1x16xf32, #tpu.memory_space<hbm>> -> memref<16xf32, #tpu.memory_space<hbm>>
    tpu.wait_dma2 semaphore(%arg7 : memref<!tpu.dma_semaphore, #tpu.memory_space<semaphore_mem>>) src(%dma_wait3A_663 : memref<16xf32, #tpu.memory_space<hbm>>) dst(%dma_wait3A_661 : memref<16xf32, #tpu.memory_space<vmem>>)
    %dma_wait3A_664 = arith.constant 2 : i32
    %dma_wait3A_665 = arith.constant 0 : i32
    %dma_wait3A_666 = tpu.memref_slice %arg6[%dma_wait3A_664, %dma_wait3A_665] : memref<32x16xf32, #tpu.memory_space<vmem>> -> memref<1x16xf32, #tpu.memory_space<vmem>>
    %dma_wait3A_667 = tpu.memref_squeeze %dma_wait3A_666 : memref<1x16xf32, #tpu.memory_space<vmem>> -> memref<16xf32, #tpu.memory_space<vmem>>
    %dma_wait3A_668 = tpu.memref_slice %arg2[%add3A_48, %multiple_of3A_46] : memref<1024x100000xf32, #tpu.memory_space<hbm>> -> memref<1x16xf32, #tpu.memory_space<hbm>>
    %dma_wait3A_669 = tpu.memref_squeeze %dma_wait3A_668 : memref<1x16xf32, #tpu.memory_space<hbm>> -> memref<16xf32, #tpu.memory_space<hbm>>
    %dma_wait3A_670 = arith.constant 0 : i32
    %dma_wait3A_671 = tpu.memref_slice %arg6[%dma_wait3A_664, %dma_wait3A_670] : memref<32x16xf32, #tpu.memory_space<vmem>> -> memref<1x16xf32, #tpu.memory_space<vmem>>
    %dma_wait3A_672 = tpu.memref_squeeze %dma_wait3A_671 : memref<1x16xf32, #tpu.memory_space<vmem>> -> memref<16xf32, #tpu.memory_space<vmem>>
    %dma_wait3A_673 = tpu.memref_slice %arg2[%add3A_48, %multiple_of3A_46] : memref<1024x100000xf32, #tpu.memory_space<hbm>> -> memref<1x16xf32, #tpu.memory_space<hbm>>
    %dma_wait3A_674 = tpu.memref_squeeze %dma_wait3A_673 : memref<1x16xf32, #tpu.memory_space<hbm>> -> memref<16xf32, #tpu.memory_space<hbm>>
    tpu.wait_dma2 semaphore(%arg7 : memref<!tpu.dma_semaphore, #tpu.memory_space<semaphore_mem>>) src(%dma_wait3A_674 : memref<16xf32, #tpu.memory_space<hbm>>) dst(%dma_wait3A_672 : memref<16xf32, #tpu.memory_space<vmem>>)
    %dma_wait3A_675 = arith.constant 3 : i32
    %dma_wait3A_676 = arith.constant 0 : i32
    %dma_wait3A_677 = tpu.memref_slice %arg6[%dma_wait3A_675, %dma_wait3A_676] : memref<32x16xf32, #tpu.memory_space<vmem>> -> memref<1x16xf32, #tpu.memory_space<vmem>>
    %dma_wait3A_678 = tpu.memref_squeeze %dma_wait3A_677 : memref<1x16xf32, #tpu.memory_space<vmem>> -> memref<16xf32, #tpu.memory_space<vmem>>
    %dma_wait3A_679 = tpu.memref_slice %arg2[%add3A_68, %multiple_of3A_66] : memref<1024x100000xf32, #tpu.memory_space<hbm>> -> memref<1x16xf32, #tpu.memory_space<hbm>>
    %dma_wait3A_680 = tpu.memref_squeeze %dma_wait3A_679 : memref<1x16xf32, #tpu.memory_space<hbm>> -> memref<16xf32, #tpu.memory_space<hbm>>
    %dma_wait3A_681 = arith.constant 0 : i32
    %dma_wait3A_682 = tpu.memref_slice %arg6[%dma_wait3A_675, %dma_wait3A_681] : memref<32x16xf32, #tpu.memory_space<vmem>> -> memref<1x16xf32, #tpu.memory_space<vmem>>
    %dma_wait3A_683 = tpu.memref_squeeze %dma_wait3A_682 : memref<1x16xf32, #tpu.memory_space<vmem>> -> memref<16xf32, #tpu.memory_space<vmem>>
    %dma_wait3A_684 = tpu.memref_slice %arg2[%add3A_68, %multiple_of3A_66] : memref<1024x100000xf32, #tpu.memory_space<hbm>> -> memref<1x16xf32, #tpu.memory_space<hbm>>
    %dma_wait3A_685 = tpu.memref_squeeze %dma_wait3A_684 : memref<1x16xf32, #tpu.memory_space<hbm>> -> memref<16xf32, #tpu.memory_space<hbm>>
    tpu.wait_dma2 semaphore(%arg7 : memref<!tpu.dma_semaphore, #tpu.memory_space<semaphore_mem>>) src(%dma_wait3A_685 : memref<16xf32, #tpu.memory_space<hbm>>) dst(%dma_wait3A_683 : memref<16xf32, #tpu.memory_space<vmem>>)
    %dma_wait3A_686 = arith.constant 4 : i32
    %dma_wait3A_687 = arith.constant 0 : i32
    %dma_wait3A_688 = tpu.memref_slice %arg6[%dma_wait3A_686, %dma_wait3A_687] : memref<32x16xf32, #tpu.memory_space<vmem>> -> memref<1x16xf32, #tpu.memory_space<vmem>>
    %dma_wait3A_689 = tpu.memref_squeeze %dma_wait3A_688 : memref<1x16xf32, #tpu.memory_space<vmem>> -> memref<16xf32, #tpu.memory_space<vmem>>
    %dma_wait3A_690 = tpu.memref_slice %arg2[%add3A_88, %multiple_of3A_86] : memref<1024x100000xf32, #tpu.memory_space<hbm>> -> memref<1x16xf32, #tpu.memory_space<hbm>>
    %dma_wait3A_691 = tpu.memref_squeeze %dma_wait3A_690 : memref<1x16xf32, #tpu.memory_space<hbm>> -> memref<16xf32, #tpu.memory_space<hbm>>
    %dma_wait3A_692 = arith.constant 0 : i32
    %dma_wait3A_693 = tpu.memref_slice %arg6[%dma_wait3A_686, %dma_wait3A_692] : memref<32x16xf32, #tpu.memory_space<vmem>> -> memref<1x16xf32, #tpu.memory_space<vmem>>
    %dma_wait3A_694 = tpu.memref_squeeze %dma_wait3A_693 : memref<1x16xf32, #tpu.memory_space<vmem>> -> memref<16xf32, #tpu.memory_space<vmem>>
    %dma_wait3A_695 = tpu.memref_slice %arg2[%add3A_88, %multiple_of3A_86] : memref<1024x100000xf32, #tpu.memory_space<hbm>> -> memref<1x16xf32, #tpu.memory_space<hbm>>
    %dma_wait3A_696 = tpu.memref_squeeze %dma_wait3A_695 : memref<1x16xf32, #tpu.memory_space<hbm>> -> memref<16xf32, #tpu.memory_space<hbm>>
    tpu.wait_dma2 semaphore(%arg7 : memref<!tpu.dma_semaphore, #tpu.memory_space<semaphore_mem>>) src(%dma_wait3A_696 : memref<16xf32, #tpu.memory_space<hbm>>) dst(%dma_wait3A_694 : memref<16xf32, #tpu.memory_space<vmem>>)
    %dma_wait3A_697 = arith.constant 5 : i32
    %dma_wait3A_698 = arith.constant 0 : i32
    %dma_wait3A_699 = tpu.memref_slice %arg6[%dma_wait3A_697, %dma_wait3A_698] : memref<32x16xf32, #tpu.memory_space<vmem>> -> memref<1x16xf32, #tpu.memory_space<vmem>>
    %dma_wait3A_700 = tpu.memref_squeeze %dma_wait3A_699 : memref<1x16xf32, #tpu.memory_space<vmem>> -> memref<16xf32, #tpu.memory_space<vmem>>
    %dma_wait3A_701 = tpu.memref_slice %arg2[%add3A_108, %multiple_of3A_106] : memref<1024x100000xf32, #tpu.memory_space<hbm>> -> memref<1x16xf32, #tpu.memory_space<hbm>>
    %dma_wait3A_702 = tpu.memref_squeeze %dma_wait3A_701 : memref<1x16xf32, #tpu.memory_space<hbm>> -> memref<16xf32, #tpu.memory_space<hbm>>
    %dma_wait3A_703 = arith.constant 0 : i32
    %dma_wait3A_704 = tpu.memref_slice %arg6[%dma_wait3A_697, %dma_wait3A_703] : memref<32x16xf32, #tpu.memory_space<vmem>> -> memref<1x16xf32, #tpu.memory_space<vmem>>
    %dma_wait3A_705 = tpu.memref_squeeze %dma_wait3A_704 : memref<1x16xf32, #tpu.memory_space<vmem>> -> memref<16xf32, #tpu.memory_space<vmem>>
    %dma_wait3A_706 = tpu.memref_slice %arg2[%add3A_108, %multiple_of3A_106] : memref<1024x100000xf32, #tpu.memory_space<hbm>> -> memref<1x16xf32, #tpu.memory_space<hbm>>
    %dma_wait3A_707 = tpu.memref_squeeze %dma_wait3A_706 : memref<1x16xf32, #tpu.memory_space<hbm>> -> memref<16xf32, #tpu.memory_space<hbm>>
    tpu.wait_dma2 semaphore(%arg7 : memref<!tpu.dma_semaphore, #tpu.memory_space<semaphore_mem>>) src(%dma_wait3A_707 : memref<16xf32, #tpu.memory_space<hbm>>) dst(%dma_wait3A_705 : memref<16xf32, #tpu.memory_space<vmem>>)
    %dma_wait3A_708 = arith.constant 6 : i32
    %dma_wait3A_709 = arith.constant 0 : i32
    %dma_wait3A_710 = tpu.memref_slice %arg6[%dma_wait3A_708, %dma_wait3A_709] : memref<32x16xf32, #tpu.memory_space<vmem>> -> memref<1x16xf32, #tpu.memory_space<vmem>>
    %dma_wait3A_711 = tpu.memref_squeeze %dma_wait3A_710 : memref<1x16xf32, #tpu.memory_space<vmem>> -> memref<16xf32, #tpu.memory_space<vmem>>
    %dma_wait3A_712 = tpu.memref_slice %arg2[%add3A_128, %multiple_of3A_126] : memref<1024x100000xf32, #tpu.memory_space<hbm>> -> memref<1x16xf32, #tpu.memory_space<hbm>>
    %dma_wait3A_713 = tpu.memref_squeeze %dma_wait3A_712 : memref<1x16xf32, #tpu.memory_space<hbm>> -> memref<16xf32, #tpu.memory_space<hbm>>
    %dma_wait3A_714 = arith.constant 0 : i32
    %dma_wait3A_715 = tpu.memref_slice %arg6[%dma_wait3A_708, %dma_wait3A_714] : memref<32x16xf32, #tpu.memory_space<vmem>> -> memref<1x16xf32, #tpu.memory_space<vmem>>
    %dma_wait3A_716 = tpu.memref_squeeze %dma_wait3A_715 : memref<1x16xf32, #tpu.memory_space<vmem>> -> memref<16xf32, #tpu.memory_space<vmem>>
    %dma_wait3A_717 = tpu.memref_slice %arg2[%add3A_128, %multiple_of3A_126] : memref<1024x100000xf32, #tpu.memory_space<hbm>> -> memref<1x16xf32, #tpu.memory_space<hbm>>
    %dma_wait3A_718 = tpu.memref_squeeze %dma_wait3A_717 : memref<1x16xf32, #tpu.memory_space<hbm>> -> memref<16xf32, #tpu.memory_space<hbm>>
    tpu.wait_dma2 semaphore(%arg7 : memref<!tpu.dma_semaphore, #tpu.memory_space<semaphore_mem>>) src(%dma_wait3A_718 : memref<16xf32, #tpu.memory_space<hbm>>) dst(%dma_wait3A_716 : memref<16xf32, #tpu.memory_space<vmem>>)
    %dma_wait3A_719 = arith.constant 7 : i32
    %dma_wait3A_720 = arith.constant 0 : i32
    %dma_wait3A_721 = tpu.memref_slice %arg6[%dma_wait3A_719, %dma_wait3A_720] : memref<32x16xf32, #tpu.memory_space<vmem>> -> memref<1x16xf32, #tpu.memory_space<vmem>>
    %dma_wait3A_722 = tpu.memref_squeeze %dma_wait3A_721 : memref<1x16xf32, #tpu.memory_space<vmem>> -> memref<16xf32, #tpu.memory_space<vmem>>
    %dma_wait3A_723 = tpu.memref_slice %arg2[%add3A_148, %multiple_of3A_146] : memref<1024x100000xf32, #tpu.memory_space<hbm>> -> memref<1x16xf32, #tpu.memory_space<hbm>>
    %dma_wait3A_724 = tpu.memref_squeeze %dma_wait3A_723 : memref<1x16xf32, #tpu.memory_space<hbm>> -> memref<16xf32, #tpu.memory_space<hbm>>
    %dma_wait3A_725 = arith.constant 0 : i32
    %dma_wait3A_726 = tpu.memref_slice %arg6[%dma_wait3A_719, %dma_wait3A_725] : memref<32x16xf32, #tpu.memory_space<vmem>> -> memref<1x16xf32, #tpu.memory_space<vmem>>
    %dma_wait3A_727 = tpu.memref_squeeze %dma_wait3A_726 : memref<1x16xf32, #tpu.memory_space<vmem>> -> memref<16xf32, #tpu.memory_space<vmem>>
    %dma_wait3A_728 = tpu.memref_slice %arg2[%add3A_148, %multiple_of3A_146] : memref<1024x100000xf32, #tpu.memory_space<hbm>> -> memref<1x16xf32, #tpu.memory_space<hbm>>
    %dma_wait3A_729 = tpu.memref_squeeze %dma_wait3A_728 : memref<1x16xf32, #tpu.memory_space<hbm>> -> memref<16xf32, #tpu.memory_space<hbm>>
    tpu.wait_dma2 semaphore(%arg7 : memref<!tpu.dma_semaphore, #tpu.memory_space<semaphore_mem>>) src(%dma_wait3A_729 : memref<16xf32, #tpu.memory_space<hbm>>) dst(%dma_wait3A_727 : memref<16xf32, #tpu.memory_space<vmem>>)
    %dma_wait3A_730 = arith.constant 8 : i32
    %dma_wait3A_731 = arith.constant 0 : i32
    %dma_wait3A_732 = tpu.memref_slice %arg6[%dma_wait3A_730, %dma_wait3A_731] : memref<32x16xf32, #tpu.memory_space<vmem>> -> memref<1x16xf32, #tpu.memory_space<vmem>>
    %dma_wait3A_733 = tpu.memref_squeeze %dma_wait3A_732 : memref<1x16xf32, #tpu.memory_space<vmem>> -> memref<16xf32, #tpu.memory_space<vmem>>
    %dma_wait3A_734 = tpu.memref_slice %arg2[%add3A_168, %multiple_of3A_166] : memref<1024x100000xf32, #tpu.memory_space<hbm>> -> memref<1x16xf32, #tpu.memory_space<hbm>>
    %dma_wait3A_735 = tpu.memref_squeeze %dma_wait3A_734 : memref<1x16xf32, #tpu.memory_space<hbm>> -> memref<16xf32, #tpu.memory_space<hbm>>
    %dma_wait3A_736 = arith.constant 0 : i32
    %dma_wait3A_737 = tpu.memref_slice %arg6[%dma_wait3A_730, %dma_wait3A_736] : memref<32x16xf32, #tpu.memory_space<vmem>> -> memref<1x16xf32, #tpu.memory_space<vmem>>
    %dma_wait3A_738 = tpu.memref_squeeze %dma_wait3A_737 : memref<1x16xf32, #tpu.memory_space<vmem>> -> memref<16xf32, #tpu.memory_space<vmem>>
    %dma_wait3A_739 = tpu.memref_slice %arg2[%add3A_168, %multiple_of3A_166] : memref<1024x100000xf32, #tpu.memory_space<hbm>> -> memref<1x16xf32, #tpu.memory_space<hbm>>
    %dma_wait3A_740 = tpu.memref_squeeze %dma_wait3A_739 : memref<1x16xf32, #tpu.memory_space<hbm>> -> memref<16xf32, #tpu.memory_space<hbm>>
    tpu.wait_dma2 semaphore(%arg7 : memref<!tpu.dma_semaphore, #tpu.memory_space<semaphore_mem>>) src(%dma_wait3A_740 : memref<16xf32, #tpu.memory_space<hbm>>) dst(%dma_wait3A_738 : memref<16xf32, #tpu.memory_space<vmem>>)
    %dma_wait3A_741 = arith.constant 9 : i32
    %dma_wait3A_742 = arith.constant 0 : i32
    %dma_wait3A_743 = tpu.memref_slice %arg6[%dma_wait3A_741, %dma_wait3A_742] : memref<32x16xf32, #tpu.memory_space<vmem>> -> memref<1x16xf32, #tpu.memory_space<vmem>>
    %dma_wait3A_744 = tpu.memref_squeeze %dma_wait3A_743 : memref<1x16xf32, #tpu.memory_space<vmem>> -> memref<16xf32, #tpu.memory_space<vmem>>
    %dma_wait3A_745 = tpu.memref_slice %arg2[%add3A_188, %multiple_of3A_186] : memref<1024x100000xf32, #tpu.memory_space<hbm>> -> memref<1x16xf32, #tpu.memory_space<hbm>>
    %dma_wait3A_746 = tpu.memref_squeeze %dma_wait3A_745 : memref<1x16xf32, #tpu.memory_space<hbm>> -> memref<16xf32, #tpu.memory_space<hbm>>
    %dma_wait3A_747 = arith.constant 0 : i32
    %dma_wait3A_748 = tpu.memref_slice %arg6[%dma_wait3A_741, %dma_wait3A_747] : memref<32x16xf32, #tpu.memory_space<vmem>> -> memref<1x16xf32, #tpu.memory_space<vmem>>
    %dma_wait3A_749 = tpu.memref_squeeze %dma_wait3A_748 : memref<1x16xf32, #tpu.memory_space<vmem>> -> memref<16xf32, #tpu.memory_space<vmem>>
    %dma_wait3A_750 = tpu.memref_slice %arg2[%add3A_188, %multiple_of3A_186] : memref<1024x100000xf32, #tpu.memory_space<hbm>> -> memref<1x16xf32, #tpu.memory_space<hbm>>
    %dma_wait3A_751 = tpu.memref_squeeze %dma_wait3A_750 : memref<1x16xf32, #tpu.memory_space<hbm>> -> memref<16xf32, #tpu.memory_space<hbm>>
    tpu.wait_dma2 semaphore(%arg7 : memref<!tpu.dma_semaphore, #tpu.memory_space<semaphore_mem>>) src(%dma_wait3A_751 : memref<16xf32, #tpu.memory_space<hbm>>) dst(%dma_wait3A_749 : memref<16xf32, #tpu.memory_space<vmem>>)
    %dma_wait3A_752 = arith.constant 10 : i32
    %dma_wait3A_753 = arith.constant 0 : i32
    %dma_wait3A_754 = tpu.memref_slice %arg6[%dma_wait3A_752, %dma_wait3A_753] : memref<32x16xf32, #tpu.memory_space<vmem>> -> memref<1x16xf32, #tpu.memory_space<vmem>>
    %dma_wait3A_755 = tpu.memref_squeeze %dma_wait3A_754 : memref<1x16xf32, #tpu.memory_space<vmem>> -> memref<16xf32, #tpu.memory_space<vmem>>
    %dma_wait3A_756 = tpu.memref_slice %arg2[%add3A_208, %multiple_of3A_206] : memref<1024x100000xf32, #tpu.memory_space<hbm>> -> memref<1x16xf32, #tpu.memory_space<hbm>>
    %dma_wait3A_757 = tpu.memref_squeeze %dma_wait3A_756 : memref<1x16xf32, #tpu.memory_space<hbm>> -> memref<16xf32, #tpu.memory_space<hbm>>
    %dma_wait3A_758 = arith.constant 0 : i32
    %dma_wait3A_759 = tpu.memref_slice %arg6[%dma_wait3A_752, %dma_wait3A_758] : memref<32x16xf32, #tpu.memory_space<vmem>> -> memref<1x16xf32, #tpu.memory_space<vmem>>
    %dma_wait3A_760 = tpu.memref_squeeze %dma_wait3A_759 : memref<1x16xf32, #tpu.memory_space<vmem>> -> memref<16xf32, #tpu.memory_space<vmem>>
    %dma_wait3A_761 = tpu.memref_slice %arg2[%add3A_208, %multiple_of3A_206] : memref<1024x100000xf32, #tpu.memory_space<hbm>> -> memref<1x16xf32, #tpu.memory_space<hbm>>
    %dma_wait3A_762 = tpu.memref_squeeze %dma_wait3A_761 : memref<1x16xf32, #tpu.memory_space<hbm>> -> memref<16xf32, #tpu.memory_space<hbm>>
    tpu.wait_dma2 semaphore(%arg7 : memref<!tpu.dma_semaphore, #tpu.memory_space<semaphore_mem>>) src(%dma_wait3A_762 : memref<16xf32, #tpu.memory_space<hbm>>) dst(%dma_wait3A_760 : memref<16xf32, #tpu.memory_space<vmem>>)
    %dma_wait3A_763 = arith.constant 11 : i32
    %dma_wait3A_764 = arith.constant 0 : i32
    %dma_wait3A_765 = tpu.memref_slice %arg6[%dma_wait3A_763, %dma_wait3A_764] : memref<32x16xf32, #tpu.memory_space<vmem>> -> memref<1x16xf32, #tpu.memory_space<vmem>>
    %dma_wait3A_766 = tpu.memref_squeeze %dma_wait3A_765 : memref<1x16xf32, #tpu.memory_space<vmem>> -> memref<16xf32, #tpu.memory_space<vmem>>
    %dma_wait3A_767 = tpu.memref_slice %arg2[%add3A_228, %multiple_of3A_226] : memref<1024x100000xf32, #tpu.memory_space<hbm>> -> memref<1x16xf32, #tpu.memory_space<hbm>>
    %dma_wait3A_768 = tpu.memref_squeeze %dma_wait3A_767 : memref<1x16xf32, #tpu.memory_space<hbm>> -> memref<16xf32, #tpu.memory_space<hbm>>
    %dma_wait3A_769 = arith.constant 0 : i32
    %dma_wait3A_770 = tpu.memref_slice %arg6[%dma_wait3A_763, %dma_wait3A_769] : memref<32x16xf32, #tpu.memory_space<vmem>> -> memref<1x16xf32, #tpu.memory_space<vmem>>
    %dma_wait3A_771 = tpu.memref_squeeze %dma_wait3A_770 : memref<1x16xf32, #tpu.memory_space<vmem>> -> memref<16xf32, #tpu.memory_space<vmem>>
    %dma_wait3A_772 = tpu.memref_slice %arg2[%add3A_228, %multiple_of3A_226] : memref<1024x100000xf32, #tpu.memory_space<hbm>> -> memref<1x16xf32, #tpu.memory_space<hbm>>
    %dma_wait3A_773 = tpu.memref_squeeze %dma_wait3A_772 : memref<1x16xf32, #tpu.memory_space<hbm>> -> memref<16xf32, #tpu.memory_space<hbm>>
    tpu.wait_dma2 semaphore(%arg7 : memref<!tpu.dma_semaphore, #tpu.memory_space<semaphore_mem>>) src(%dma_wait3A_773 : memref<16xf32, #tpu.memory_space<hbm>>) dst(%dma_wait3A_771 : memref<16xf32, #tpu.memory_space<vmem>>)
    %dma_wait3A_774 = arith.constant 12 : i32
    %dma_wait3A_775 = arith.constant 0 : i32
    %dma_wait3A_776 = tpu.memref_slice %arg6[%dma_wait3A_774, %dma_wait3A_775] : memref<32x16xf32, #tpu.memory_space<vmem>> -> memref<1x16xf32, #tpu.memory_space<vmem>>
    %dma_wait3A_777 = tpu.memref_squeeze %dma_wait3A_776 : memref<1x16xf32, #tpu.memory_space<vmem>> -> memref<16xf32, #tpu.memory_space<vmem>>
    %dma_wait3A_778 = tpu.memref_slice %arg2[%add3A_248, %multiple_of3A_246] : memref<1024x100000xf32, #tpu.memory_space<hbm>> -> memref<1x16xf32, #tpu.memory_space<hbm>>
    %dma_wait3A_779 = tpu.memref_squeeze %dma_wait3A_778 : memref<1x16xf32, #tpu.memory_space<hbm>> -> memref<16xf32, #tpu.memory_space<hbm>>
    %dma_wait3A_780 = arith.constant 0 : i32
    %dma_wait3A_781 = tpu.memref_slice %arg6[%dma_wait3A_774, %dma_wait3A_780] : memref<32x16xf32, #tpu.memory_space<vmem>> -> memref<1x16xf32, #tpu.memory_space<vmem>>
    %dma_wait3A_782 = tpu.memref_squeeze %dma_wait3A_781 : memref<1x16xf32, #tpu.memory_space<vmem>> -> memref<16xf32, #tpu.memory_space<vmem>>
    %dma_wait3A_783 = tpu.memref_slice %arg2[%add3A_248, %multiple_of3A_246] : memref<1024x100000xf32, #tpu.memory_space<hbm>> -> memref<1x16xf32, #tpu.memory_space<hbm>>
    %dma_wait3A_784 = tpu.memref_squeeze %dma_wait3A_783 : memref<1x16xf32, #tpu.memory_space<hbm>> -> memref<16xf32, #tpu.memory_space<hbm>>
    tpu.wait_dma2 semaphore(%arg7 : memref<!tpu.dma_semaphore, #tpu.memory_space<semaphore_mem>>) src(%dma_wait3A_784 : memref<16xf32, #tpu.memory_space<hbm>>) dst(%dma_wait3A_782 : memref<16xf32, #tpu.memory_space<vmem>>)
    %dma_wait3A_785 = arith.constant 13 : i32
    %dma_wait3A_786 = arith.constant 0 : i32
    %dma_wait3A_787 = tpu.memref_slice %arg6[%dma_wait3A_785, %dma_wait3A_786] : memref<32x16xf32, #tpu.memory_space<vmem>> -> memref<1x16xf32, #tpu.memory_space<vmem>>
    %dma_wait3A_788 = tpu.memref_squeeze %dma_wait3A_787 : memref<1x16xf32, #tpu.memory_space<vmem>> -> memref<16xf32, #tpu.memory_space<vmem>>
    %dma_wait3A_789 = tpu.memref_slice %arg2[%add3A_268, %multiple_of3A_266] : memref<1024x100000xf32, #tpu.memory_space<hbm>> -> memref<1x16xf32, #tpu.memory_space<hbm>>
    %dma_wait3A_790 = tpu.memref_squeeze %dma_wait3A_789 : memref<1x16xf32, #tpu.memory_space<hbm>> -> memref<16xf32, #tpu.memory_space<hbm>>
    %dma_wait3A_791 = arith.constant 0 : i32
    %dma_wait3A_792 = tpu.memref_slice %arg6[%dma_wait3A_785, %dma_wait3A_791] : memref<32x16xf32, #tpu.memory_space<vmem>> -> memref<1x16xf32, #tpu.memory_space<vmem>>
    %dma_wait3A_793 = tpu.memref_squeeze %dma_wait3A_792 : memref<1x16xf32, #tpu.memory_space<vmem>> -> memref<16xf32, #tpu.memory_space<vmem>>
    %dma_wait3A_794 = tpu.memref_slice %arg2[%add3A_268, %multiple_of3A_266] : memref<1024x100000xf32, #tpu.memory_space<hbm>> -> memref<1x16xf32, #tpu.memory_space<hbm>>
    %dma_wait3A_795 = tpu.memref_squeeze %dma_wait3A_794 : memref<1x16xf32, #tpu.memory_space<hbm>> -> memref<16xf32, #tpu.memory_space<hbm>>
    tpu.wait_dma2 semaphore(%arg7 : memref<!tpu.dma_semaphore, #tpu.memory_space<semaphore_mem>>) src(%dma_wait3A_795 : memref<16xf32, #tpu.memory_space<hbm>>) dst(%dma_wait3A_793 : memref<16xf32, #tpu.memory_space<vmem>>)
    %dma_wait3A_796 = arith.constant 14 : i32
    %dma_wait3A_797 = arith.constant 0 : i32
    %dma_wait3A_798 = tpu.memref_slice %arg6[%dma_wait3A_796, %dma_wait3A_797] : memref<32x16xf32, #tpu.memory_space<vmem>> -> memref<1x16xf32, #tpu.memory_space<vmem>>
    %dma_wait3A_799 = tpu.memref_squeeze %dma_wait3A_798 : memref<1x16xf32, #tpu.memory_space<vmem>> -> memref<16xf32, #tpu.memory_space<vmem>>
    %dma_wait3A_800 = tpu.memref_slice %arg2[%add3A_288, %multiple_of3A_286] : memref<1024x100000xf32, #tpu.memory_space<hbm>> -> memref<1x16xf32, #tpu.memory_space<hbm>>
    %dma_wait3A_801 = tpu.memref_squeeze %dma_wait3A_800 : memref<1x16xf32, #tpu.memory_space<hbm>> -> memref<16xf32, #tpu.memory_space<hbm>>
    %dma_wait3A_802 = arith.constant 0 : i32
    %dma_wait3A_803 = tpu.memref_slice %arg6[%dma_wait3A_796, %dma_wait3A_802] : memref<32x16xf32, #tpu.memory_space<vmem>> -> memref<1x16xf32, #tpu.memory_space<vmem>>
    %dma_wait3A_804 = tpu.memref_squeeze %dma_wait3A_803 : memref<1x16xf32, #tpu.memory_space<vmem>> -> memref<16xf32, #tpu.memory_space<vmem>>
    %dma_wait3A_805 = tpu.memref_slice %arg2[%add3A_288, %multiple_of3A_286] : memref<1024x100000xf32, #tpu.memory_space<hbm>> -> memref<1x16xf32, #tpu.memory_space<hbm>>
    %dma_wait3A_806 = tpu.memref_squeeze %dma_wait3A_805 : memref<1x16xf32, #tpu.memory_space<hbm>> -> memref<16xf32, #tpu.memory_space<hbm>>
    tpu.wait_dma2 semaphore(%arg7 : memref<!tpu.dma_semaphore, #tpu.memory_space<semaphore_mem>>) src(%dma_wait3A_806 : memref<16xf32, #tpu.memory_space<hbm>>) dst(%dma_wait3A_804 : memref<16xf32, #tpu.memory_space<vmem>>)
    %dma_wait3A_807 = arith.constant 15 : i32
    %dma_wait3A_808 = arith.constant 0 : i32
    %dma_wait3A_809 = tpu.memref_slice %arg6[%dma_wait3A_807, %dma_wait3A_808] : memref<32x16xf32, #tpu.memory_space<vmem>> -> memref<1x16xf32, #tpu.memory_space<vmem>>
    %dma_wait3A_810 = tpu.memref_squeeze %dma_wait3A_809 : memref<1x16xf32, #tpu.memory_space<vmem>> -> memref<16xf32, #tpu.memory_space<vmem>>
    %dma_wait3A_811 = tpu.memref_slice %arg2[%add3A_308, %multiple_of3A_306] : memref<1024x100000xf32, #tpu.memory_space<hbm>> -> memref<1x16xf32, #tpu.memory_space<hbm>>
    %dma_wait3A_812 = tpu.memref_squeeze %dma_wait3A_811 : memref<1x16xf32, #tpu.memory_space<hbm>> -> memref<16xf32, #tpu.memory_space<hbm>>
    %dma_wait3A_813 = arith.constant 0 : i32
    %dma_wait3A_814 = tpu.memref_slice %arg6[%dma_wait3A_807, %dma_wait3A_813] : memref<32x16xf32, #tpu.memory_space<vmem>> -> memref<1x16xf32, #tpu.memory_space<vmem>>
    %dma_wait3A_815 = tpu.memref_squeeze %dma_wait3A_814 : memref<1x16xf32, #tpu.memory_space<vmem>> -> memref<16xf32, #tpu.memory_space<vmem>>
    %dma_wait3A_816 = tpu.memref_slice %arg2[%add3A_308, %multiple_of3A_306] : memref<1024x100000xf32, #tpu.memory_space<hbm>> -> memref<1x16xf32, #tpu.memory_space<hbm>>
    %dma_wait3A_817 = tpu.memref_squeeze %dma_wait3A_816 : memref<1x16xf32, #tpu.memory_space<hbm>> -> memref<16xf32, #tpu.memory_space<hbm>>
    tpu.wait_dma2 semaphore(%arg7 : memref<!tpu.dma_semaphore, #tpu.memory_space<semaphore_mem>>) src(%dma_wait3A_817 : memref<16xf32, #tpu.memory_space<hbm>>) dst(%dma_wait3A_815 : memref<16xf32, #tpu.memory_space<vmem>>)
    %dma_wait3A_818 = arith.constant 16 : i32
    %dma_wait3A_819 = arith.constant 0 : i32
    %dma_wait3A_820 = tpu.memref_slice %arg6[%dma_wait3A_818, %dma_wait3A_819] : memref<32x16xf32, #tpu.memory_space<vmem>> -> memref<1x16xf32, #tpu.memory_space<vmem>>
    %dma_wait3A_821 = tpu.memref_squeeze %dma_wait3A_820 : memref<1x16xf32, #tpu.memory_space<vmem>> -> memref<16xf32, #tpu.memory_space<vmem>>
    %dma_wait3A_822 = tpu.memref_slice %arg2[%add3A_331, %multiple_of3A_329] : memref<1024x100000xf32, #tpu.memory_space<hbm>> -> memref<1x16xf32, #tpu.memory_space<hbm>>
    %dma_wait3A_823 = tpu.memref_squeeze %dma_wait3A_822 : memref<1x16xf32, #tpu.memory_space<hbm>> -> memref<16xf32, #tpu.memory_space<hbm>>
    %dma_wait3A_824 = arith.constant 0 : i32
    %dma_wait3A_825 = tpu.memref_slice %arg6[%dma_wait3A_818, %dma_wait3A_824] : memref<32x16xf32, #tpu.memory_space<vmem>> -> memref<1x16xf32, #tpu.memory_space<vmem>>
    %dma_wait3A_826 = tpu.memref_squeeze %dma_wait3A_825 : memref<1x16xf32, #tpu.memory_space<vmem>> -> memref<16xf32, #tpu.memory_space<vmem>>
    %dma_wait3A_827 = tpu.memref_slice %arg2[%add3A_331, %multiple_of3A_329] : memref<1024x100000xf32, #tpu.memory_space<hbm>> -> memref<1x16xf32, #tpu.memory_space<hbm>>
    %dma_wait3A_828 = tpu.memref_squeeze %dma_wait3A_827 : memref<1x16xf32, #tpu.memory_space<hbm>> -> memref<16xf32, #tpu.memory_space<hbm>>
    tpu.wait_dma2 semaphore(%arg7 : memref<!tpu.dma_semaphore, #tpu.memory_space<semaphore_mem>>) src(%dma_wait3A_828 : memref<16xf32, #tpu.memory_space<hbm>>) dst(%dma_wait3A_826 : memref<16xf32, #tpu.memory_space<vmem>>)
    %dma_wait3A_829 = arith.constant 17 : i32
    %dma_wait3A_830 = arith.constant 0 : i32
    %dma_wait3A_831 = tpu.memref_slice %arg6[%dma_wait3A_829, %dma_wait3A_830] : memref<32x16xf32, #tpu.memory_space<vmem>> -> memref<1x16xf32, #tpu.memory_space<vmem>>
    %dma_wait3A_832 = tpu.memref_squeeze %dma_wait3A_831 : memref<1x16xf32, #tpu.memory_space<vmem>> -> memref<16xf32, #tpu.memory_space<vmem>>
    %dma_wait3A_833 = tpu.memref_slice %arg2[%add3A_351, %multiple_of3A_349] : memref<1024x100000xf32, #tpu.memory_space<hbm>> -> memref<1x16xf32, #tpu.memory_space<hbm>>
    %dma_wait3A_834 = tpu.memref_squeeze %dma_wait3A_833 : memref<1x16xf32, #tpu.memory_space<hbm>> -> memref<16xf32, #tpu.memory_space<hbm>>
    %dma_wait3A_835 = arith.constant 0 : i32
    %dma_wait3A_836 = tpu.memref_slice %arg6[%dma_wait3A_829, %dma_wait3A_835] : memref<32x16xf32, #tpu.memory_space<vmem>> -> memref<1x16xf32, #tpu.memory_space<vmem>>
    %dma_wait3A_837 = tpu.memref_squeeze %dma_wait3A_836 : memref<1x16xf32, #tpu.memory_space<vmem>> -> memref<16xf32, #tpu.memory_space<vmem>>
    %dma_wait3A_838 = tpu.memref_slice %arg2[%add3A_351, %multiple_of3A_349] : memref<1024x100000xf32, #tpu.memory_space<hbm>> -> memref<1x16xf32, #tpu.memory_space<hbm>>
    %dma_wait3A_839 = tpu.memref_squeeze %dma_wait3A_838 : memref<1x16xf32, #tpu.memory_space<hbm>> -> memref<16xf32, #tpu.memory_space<hbm>>
    tpu.wait_dma2 semaphore(%arg7 : memref<!tpu.dma_semaphore, #tpu.memory_space<semaphore_mem>>) src(%dma_wait3A_839 : memref<16xf32, #tpu.memory_space<hbm>>) dst(%dma_wait3A_837 : memref<16xf32, #tpu.memory_space<vmem>>)
    %dma_wait3A_840 = arith.constant 18 : i32
    %dma_wait3A_841 = arith.constant 0 : i32
    %dma_wait3A_842 = tpu.memref_slice %arg6[%dma_wait3A_840, %dma_wait3A_841] : memref<32x16xf32, #tpu.memory_space<vmem>> -> memref<1x16xf32, #tpu.memory_space<vmem>>
    %dma_wait3A_843 = tpu.memref_squeeze %dma_wait3A_842 : memref<1x16xf32, #tpu.memory_space<vmem>> -> memref<16xf32, #tpu.memory_space<vmem>>
    %dma_wait3A_844 = tpu.memref_slice %arg2[%add3A_371, %multiple_of3A_369] : memref<1024x100000xf32, #tpu.memory_space<hbm>> -> memref<1x16xf32, #tpu.memory_space<hbm>>
    %dma_wait3A_845 = tpu.memref_squeeze %dma_wait3A_844 : memref<1x16xf32, #tpu.memory_space<hbm>> -> memref<16xf32, #tpu.memory_space<hbm>>
    %dma_wait3A_846 = arith.constant 0 : i32
    %dma_wait3A_847 = tpu.memref_slice %arg6[%dma_wait3A_840, %dma_wait3A_846] : memref<32x16xf32, #tpu.memory_space<vmem>> -> memref<1x16xf32, #tpu.memory_space<vmem>>
    %dma_wait3A_848 = tpu.memref_squeeze %dma_wait3A_847 : memref<1x16xf32, #tpu.memory_space<vmem>> -> memref<16xf32, #tpu.memory_space<vmem>>
    %dma_wait3A_849 = tpu.memref_slice %arg2[%add3A_371, %multiple_of3A_369] : memref<1024x100000xf32, #tpu.memory_space<hbm>> -> memref<1x16xf32, #tpu.memory_space<hbm>>
    %dma_wait3A_850 = tpu.memref_squeeze %dma_wait3A_849 : memref<1x16xf32, #tpu.memory_space<hbm>> -> memref<16xf32, #tpu.memory_space<hbm>>
    tpu.wait_dma2 semaphore(%arg7 : memref<!tpu.dma_semaphore, #tpu.memory_space<semaphore_mem>>) src(%dma_wait3A_850 : memref<16xf32, #tpu.memory_space<hbm>>) dst(%dma_wait3A_848 : memref<16xf32, #tpu.memory_space<vmem>>)
    %dma_wait3A_851 = arith.constant 19 : i32
    %dma_wait3A_852 = arith.constant 0 : i32
    %dma_wait3A_853 = tpu.memref_slice %arg6[%dma_wait3A_851, %dma_wait3A_852] : memref<32x16xf32, #tpu.memory_space<vmem>> -> memref<1x16xf32, #tpu.memory_space<vmem>>
    %dma_wait3A_854 = tpu.memref_squeeze %dma_wait3A_853 : memref<1x16xf32, #tpu.memory_space<vmem>> -> memref<16xf32, #tpu.memory_space<vmem>>
    %dma_wait3A_855 = tpu.memref_slice %arg2[%add3A_391, %multiple_of3A_389] : memref<1024x100000xf32, #tpu.memory_space<hbm>> -> memref<1x16xf32, #tpu.memory_space<hbm>>
    %dma_wait3A_856 = tpu.memref_squeeze %dma_wait3A_855 : memref<1x16xf32, #tpu.memory_space<hbm>> -> memref<16xf32, #tpu.memory_space<hbm>>
    %dma_wait3A_857 = arith.constant 0 : i32
    %dma_wait3A_858 = tpu.memref_slice %arg6[%dma_wait3A_851, %dma_wait3A_857] : memref<32x16xf32, #tpu.memory_space<vmem>> -> memref<1x16xf32, #tpu.memory_space<vmem>>
    %dma_wait3A_859 = tpu.memref_squeeze %dma_wait3A_858 : memref<1x16xf32, #tpu.memory_space<vmem>> -> memref<16xf32, #tpu.memory_space<vmem>>
    %dma_wait3A_860 = tpu.memref_slice %arg2[%add3A_391, %multiple_of3A_389] : memref<1024x100000xf32, #tpu.memory_space<hbm>> -> memref<1x16xf32, #tpu.memory_space<hbm>>
    %dma_wait3A_861 = tpu.memref_squeeze %dma_wait3A_860 : memref<1x16xf32, #tpu.memory_space<hbm>> -> memref<16xf32, #tpu.memory_space<hbm>>
    tpu.wait_dma2 semaphore(%arg7 : memref<!tpu.dma_semaphore, #tpu.memory_space<semaphore_mem>>) src(%dma_wait3A_861 : memref<16xf32, #tpu.memory_space<hbm>>) dst(%dma_wait3A_859 : memref<16xf32, #tpu.memory_space<vmem>>)
    %dma_wait3A_862 = arith.constant 20 : i32
    %dma_wait3A_863 = arith.constant 0 : i32
    %dma_wait3A_864 = tpu.memref_slice %arg6[%dma_wait3A_862, %dma_wait3A_863] : memref<32x16xf32, #tpu.memory_space<vmem>> -> memref<1x16xf32, #tpu.memory_space<vmem>>
    %dma_wait3A_865 = tpu.memref_squeeze %dma_wait3A_864 : memref<1x16xf32, #tpu.memory_space<vmem>> -> memref<16xf32, #tpu.memory_space<vmem>>
    %dma_wait3A_866 = tpu.memref_slice %arg2[%add3A_411, %multiple_of3A_409] : memref<1024x100000xf32, #tpu.memory_space<hbm>> -> memref<1x16xf32, #tpu.memory_space<hbm>>
    %dma_wait3A_867 = tpu.memref_squeeze %dma_wait3A_866 : memref<1x16xf32, #tpu.memory_space<hbm>> -> memref<16xf32, #tpu.memory_space<hbm>>
    %dma_wait3A_868 = arith.constant 0 : i32
    %dma_wait3A_869 = tpu.memref_slice %arg6[%dma_wait3A_862, %dma_wait3A_868] : memref<32x16xf32, #tpu.memory_space<vmem>> -> memref<1x16xf32, #tpu.memory_space<vmem>>
    %dma_wait3A_870 = tpu.memref_squeeze %dma_wait3A_869 : memref<1x16xf32, #tpu.memory_space<vmem>> -> memref<16xf32, #tpu.memory_space<vmem>>
    %dma_wait3A_871 = tpu.memref_slice %arg2[%add3A_411, %multiple_of3A_409] : memref<1024x100000xf32, #tpu.memory_space<hbm>> -> memref<1x16xf32, #tpu.memory_space<hbm>>
    %dma_wait3A_872 = tpu.memref_squeeze %dma_wait3A_871 : memref<1x16xf32, #tpu.memory_space<hbm>> -> memref<16xf32, #tpu.memory_space<hbm>>
    tpu.wait_dma2 semaphore(%arg7 : memref<!tpu.dma_semaphore, #tpu.memory_space<semaphore_mem>>) src(%dma_wait3A_872 : memref<16xf32, #tpu.memory_space<hbm>>) dst(%dma_wait3A_870 : memref<16xf32, #tpu.memory_space<vmem>>)
    %dma_wait3A_873 = arith.constant 21 : i32
    %dma_wait3A_874 = arith.constant 0 : i32
    %dma_wait3A_875 = tpu.memref_slice %arg6[%dma_wait3A_873, %dma_wait3A_874] : memref<32x16xf32, #tpu.memory_space<vmem>> -> memref<1x16xf32, #tpu.memory_space<vmem>>
    %dma_wait3A_876 = tpu.memref_squeeze %dma_wait3A_875 : memref<1x16xf32, #tpu.memory_space<vmem>> -> memref<16xf32, #tpu.memory_space<vmem>>
    %dma_wait3A_877 = tpu.memref_slice %arg2[%add3A_431, %multiple_of3A_429] : memref<1024x100000xf32, #tpu.memory_space<hbm>> -> memref<1x16xf32, #tpu.memory_space<hbm>>
    %dma_wait3A_878 = tpu.memref_squeeze %dma_wait3A_877 : memref<1x16xf32, #tpu.memory_space<hbm>> -> memref<16xf32, #tpu.memory_space<hbm>>
    %dma_wait3A_879 = arith.constant 0 : i32
    %dma_wait3A_880 = tpu.memref_slice %arg6[%dma_wait3A_873, %dma_wait3A_879] : memref<32x16xf32, #tpu.memory_space<vmem>> -> memref<1x16xf32, #tpu.memory_space<vmem>>
    %dma_wait3A_881 = tpu.memref_squeeze %dma_wait3A_880 : memref<1x16xf32, #tpu.memory_space<vmem>> -> memref<16xf32, #tpu.memory_space<vmem>>
    %dma_wait3A_882 = tpu.memref_slice %arg2[%add3A_431, %multiple_of3A_429] : memref<1024x100000xf32, #tpu.memory_space<hbm>> -> memref<1x16xf32, #tpu.memory_space<hbm>>
    %dma_wait3A_883 = tpu.memref_squeeze %dma_wait3A_882 : memref<1x16xf32, #tpu.memory_space<hbm>> -> memref<16xf32, #tpu.memory_space<hbm>>
    tpu.wait_dma2 semaphore(%arg7 : memref<!tpu.dma_semaphore, #tpu.memory_space<semaphore_mem>>) src(%dma_wait3A_883 : memref<16xf32, #tpu.memory_space<hbm>>) dst(%dma_wait3A_881 : memref<16xf32, #tpu.memory_space<vmem>>)
    %dma_wait3A_884 = arith.constant 22 : i32
    %dma_wait3A_885 = arith.constant 0 : i32
    %dma_wait3A_886 = tpu.memref_slice %arg6[%dma_wait3A_884, %dma_wait3A_885] : memref<32x16xf32, #tpu.memory_space<vmem>> -> memref<1x16xf32, #tpu.memory_space<vmem>>
    %dma_wait3A_887 = tpu.memref_squeeze %dma_wait3A_886 : memref<1x16xf32, #tpu.memory_space<vmem>> -> memref<16xf32, #tpu.memory_space<vmem>>
    %dma_wait3A_888 = tpu.memref_slice %arg2[%add3A_451, %multiple_of3A_449] : memref<1024x100000xf32, #tpu.memory_space<hbm>> -> memref<1x16xf32, #tpu.memory_space<hbm>>
    %dma_wait3A_889 = tpu.memref_squeeze %dma_wait3A_888 : memref<1x16xf32, #tpu.memory_space<hbm>> -> memref<16xf32, #tpu.memory_space<hbm>>
    %dma_wait3A_890 = arith.constant 0 : i32
    %dma_wait3A_891 = tpu.memref_slice %arg6[%dma_wait3A_884, %dma_wait3A_890] : memref<32x16xf32, #tpu.memory_space<vmem>> -> memref<1x16xf32, #tpu.memory_space<vmem>>
    %dma_wait3A_892 = tpu.memref_squeeze %dma_wait3A_891 : memref<1x16xf32, #tpu.memory_space<vmem>> -> memref<16xf32, #tpu.memory_space<vmem>>
    %dma_wait3A_893 = tpu.memref_slice %arg2[%add3A_451, %multiple_of3A_449] : memref<1024x100000xf32, #tpu.memory_space<hbm>> -> memref<1x16xf32, #tpu.memory_space<hbm>>
    %dma_wait3A_894 = tpu.memref_squeeze %dma_wait3A_893 : memref<1x16xf32, #tpu.memory_space<hbm>> -> memref<16xf32, #tpu.memory_space<hbm>>
    tpu.wait_dma2 semaphore(%arg7 : memref<!tpu.dma_semaphore, #tpu.memory_space<semaphore_mem>>) src(%dma_wait3A_894 : memref<16xf32, #tpu.memory_space<hbm>>) dst(%dma_wait3A_892 : memref<16xf32, #tpu.memory_space<vmem>>)
    %dma_wait3A_895 = arith.constant 23 : i32
    %dma_wait3A_896 = arith.constant 0 : i32
    %dma_wait3A_897 = tpu.memref_slice %arg6[%dma_wait3A_895, %dma_wait3A_896] : memref<32x16xf32, #tpu.memory_space<vmem>> -> memref<1x16xf32, #tpu.memory_space<vmem>>
    %dma_wait3A_898 = tpu.memref_squeeze %dma_wait3A_897 : memref<1x16xf32, #tpu.memory_space<vmem>> -> memref<16xf32, #tpu.memory_space<vmem>>
    %dma_wait3A_899 = tpu.memref_slice %arg2[%add3A_471, %multiple_of3A_469] : memref<1024x100000xf32, #tpu.memory_space<hbm>> -> memref<1x16xf32, #tpu.memory_space<hbm>>
    %dma_wait3A_900 = tpu.memref_squeeze %dma_wait3A_899 : memref<1x16xf32, #tpu.memory_space<hbm>> -> memref<16xf32, #tpu.memory_space<hbm>>
    %dma_wait3A_901 = arith.constant 0 : i32
    %dma_wait3A_902 = tpu.memref_slice %arg6[%dma_wait3A_895, %dma_wait3A_901] : memref<32x16xf32, #tpu.memory_space<vmem>> -> memref<1x16xf32, #tpu.memory_space<vmem>>
    %dma_wait3A_903 = tpu.memref_squeeze %dma_wait3A_902 : memref<1x16xf32, #tpu.memory_space<vmem>> -> memref<16xf32, #tpu.memory_space<vmem>>
    %dma_wait3A_904 = tpu.memref_slice %arg2[%add3A_471, %multiple_of3A_469] : memref<1024x100000xf32, #tpu.memory_space<hbm>> -> memref<1x16xf32, #tpu.memory_space<hbm>>
    %dma_wait3A_905 = tpu.memref_squeeze %dma_wait3A_904 : memref<1x16xf32, #tpu.memory_space<hbm>> -> memref<16xf32, #tpu.memory_space<hbm>>
    tpu.wait_dma2 semaphore(%arg7 : memref<!tpu.dma_semaphore, #tpu.memory_space<semaphore_mem>>) src(%dma_wait3A_905 : memref<16xf32, #tpu.memory_space<hbm>>) dst(%dma_wait3A_903 : memref<16xf32, #tpu.memory_space<vmem>>)
    %dma_wait3A_906 = arith.constant 24 : i32
    %dma_wait3A_907 = arith.constant 0 : i32
    %dma_wait3A_908 = tpu.memref_slice %arg6[%dma_wait3A_906, %dma_wait3A_907] : memref<32x16xf32, #tpu.memory_space<vmem>> -> memref<1x16xf32, #tpu.memory_space<vmem>>
    %dma_wait3A_909 = tpu.memref_squeeze %dma_wait3A_908 : memref<1x16xf32, #tpu.memory_space<vmem>> -> memref<16xf32, #tpu.memory_space<vmem>>
    %dma_wait3A_910 = tpu.memref_slice %arg2[%add3A_491, %multiple_of3A_489] : memref<1024x100000xf32, #tpu.memory_space<hbm>> -> memref<1x16xf32, #tpu.memory_space<hbm>>
    %dma_wait3A_911 = tpu.memref_squeeze %dma_wait3A_910 : memref<1x16xf32, #tpu.memory_space<hbm>> -> memref<16xf32, #tpu.memory_space<hbm>>
    %dma_wait3A_912 = arith.constant 0 : i32
    %dma_wait3A_913 = tpu.memref_slice %arg6[%dma_wait3A_906, %dma_wait3A_912] : memref<32x16xf32, #tpu.memory_space<vmem>> -> memref<1x16xf32, #tpu.memory_space<vmem>>
    %dma_wait3A_914 = tpu.memref_squeeze %dma_wait3A_913 : memref<1x16xf32, #tpu.memory_space<vmem>> -> memref<16xf32, #tpu.memory_space<vmem>>
    %dma_wait3A_915 = tpu.memref_slice %arg2[%add3A_491, %multiple_of3A_489] : memref<1024x100000xf32, #tpu.memory_space<hbm>> -> memref<1x16xf32, #tpu.memory_space<hbm>>
    %dma_wait3A_916 = tpu.memref_squeeze %dma_wait3A_915 : memref<1x16xf32, #tpu.memory_space<hbm>> -> memref<16xf32, #tpu.memory_space<hbm>>
    tpu.wait_dma2 semaphore(%arg7 : memref<!tpu.dma_semaphore, #tpu.memory_space<semaphore_mem>>) src(%dma_wait3A_916 : memref<16xf32, #tpu.memory_space<hbm>>) dst(%dma_wait3A_914 : memref<16xf32, #tpu.memory_space<vmem>>)
    %dma_wait3A_917 = arith.constant 25 : i32
    %dma_wait3A_918 = arith.constant 0 : i32
    %dma_wait3A_919 = tpu.memref_slice %arg6[%dma_wait3A_917, %dma_wait3A_918] : memref<32x16xf32, #tpu.memory_space<vmem>> -> memref<1x16xf32, #tpu.memory_space<vmem>>
    %dma_wait3A_920 = tpu.memref_squeeze %dma_wait3A_919 : memref<1x16xf32, #tpu.memory_space<vmem>> -> memref<16xf32, #tpu.memory_space<vmem>>
    %dma_wait3A_921 = tpu.memref_slice %arg2[%add3A_511, %multiple_of3A_509] : memref<1024x100000xf32, #tpu.memory_space<hbm>> -> memref<1x16xf32, #tpu.memory_space<hbm>>
    %dma_wait3A_922 = tpu.memref_squeeze %dma_wait3A_921 : memref<1x16xf32, #tpu.memory_space<hbm>> -> memref<16xf32, #tpu.memory_space<hbm>>
    %dma_wait3A_923 = arith.constant 0 : i32
    %dma_wait3A_924 = tpu.memref_slice %arg6[%dma_wait3A_917, %dma_wait3A_923] : memref<32x16xf32, #tpu.memory_space<vmem>> -> memref<1x16xf32, #tpu.memory_space<vmem>>
    %dma_wait3A_925 = tpu.memref_squeeze %dma_wait3A_924 : memref<1x16xf32, #tpu.memory_space<vmem>> -> memref<16xf32, #tpu.memory_space<vmem>>
    %dma_wait3A_926 = tpu.memref_slice %arg2[%add3A_511, %multiple_of3A_509] : memref<1024x100000xf32, #tpu.memory_space<hbm>> -> memref<1x16xf32, #tpu.memory_space<hbm>>
    %dma_wait3A_927 = tpu.memref_squeeze %dma_wait3A_926 : memref<1x16xf32, #tpu.memory_space<hbm>> -> memref<16xf32, #tpu.memory_space<hbm>>
    tpu.wait_dma2 semaphore(%arg7 : memref<!tpu.dma_semaphore, #tpu.memory_space<semaphore_mem>>) src(%dma_wait3A_927 : memref<16xf32, #tpu.memory_space<hbm>>) dst(%dma_wait3A_925 : memref<16xf32, #tpu.memory_space<vmem>>)
    %dma_wait3A_928 = arith.constant 26 : i32
    %dma_wait3A_929 = arith.constant 0 : i32
    %dma_wait3A_930 = tpu.memref_slice %arg6[%dma_wait3A_928, %dma_wait3A_929] : memref<32x16xf32, #tpu.memory_space<vmem>> -> memref<1x16xf32, #tpu.memory_space<vmem>>
    %dma_wait3A_931 = tpu.memref_squeeze %dma_wait3A_930 : memref<1x16xf32, #tpu.memory_space<vmem>> -> memref<16xf32, #tpu.memory_space<vmem>>
    %dma_wait3A_932 = tpu.memref_slice %arg2[%add3A_531, %multiple_of3A_529] : memref<1024x100000xf32, #tpu.memory_space<hbm>> -> memref<1x16xf32, #tpu.memory_space<hbm>>
    %dma_wait3A_933 = tpu.memref_squeeze %dma_wait3A_932 : memref<1x16xf32, #tpu.memory_space<hbm>> -> memref<16xf32, #tpu.memory_space<hbm>>
    %dma_wait3A_934 = arith.constant 0 : i32
    %dma_wait3A_935 = tpu.memref_slice %arg6[%dma_wait3A_928, %dma_wait3A_934] : memref<32x16xf32, #tpu.memory_space<vmem>> -> memref<1x16xf32, #tpu.memory_space<vmem>>
    %dma_wait3A_936 = tpu.memref_squeeze %dma_wait3A_935 : memref<1x16xf32, #tpu.memory_space<vmem>> -> memref<16xf32, #tpu.memory_space<vmem>>
    %dma_wait3A_937 = tpu.memref_slice %arg2[%add3A_531, %multiple_of3A_529] : memref<1024x100000xf32, #tpu.memory_space<hbm>> -> memref<1x16xf32, #tpu.memory_space<hbm>>
    %dma_wait3A_938 = tpu.memref_squeeze %dma_wait3A_937 : memref<1x16xf32, #tpu.memory_space<hbm>> -> memref<16xf32, #tpu.memory_space<hbm>>
    tpu.wait_dma2 semaphore(%arg7 : memref<!tpu.dma_semaphore, #tpu.memory_space<semaphore_mem>>) src(%dma_wait3A_938 : memref<16xf32, #tpu.memory_space<hbm>>) dst(%dma_wait3A_936 : memref<16xf32, #tpu.memory_space<vmem>>)
    %dma_wait3A_939 = arith.constant 27 : i32
    %dma_wait3A_940 = arith.constant 0 : i32
    %dma_wait3A_941 = tpu.memref_slice %arg6[%dma_wait3A_939, %dma_wait3A_940] : memref<32x16xf32, #tpu.memory_space<vmem>> -> memref<1x16xf32, #tpu.memory_space<vmem>>
    %dma_wait3A_942 = tpu.memref_squeeze %dma_wait3A_941 : memref<1x16xf32, #tpu.memory_space<vmem>> -> memref<16xf32, #tpu.memory_space<vmem>>
    %dma_wait3A_943 = tpu.memref_slice %arg2[%add3A_551, %multiple_of3A_549] : memref<1024x100000xf32, #tpu.memory_space<hbm>> -> memref<1x16xf32, #tpu.memory_space<hbm>>
    %dma_wait3A_944 = tpu.memref_squeeze %dma_wait3A_943 : memref<1x16xf32, #tpu.memory_space<hbm>> -> memref<16xf32, #tpu.memory_space<hbm>>
    %dma_wait3A_945 = arith.constant 0 : i32
    %dma_wait3A_946 = tpu.memref_slice %arg6[%dma_wait3A_939, %dma_wait3A_945] : memref<32x16xf32, #tpu.memory_space<vmem>> -> memref<1x16xf32, #tpu.memory_space<vmem>>
    %dma_wait3A_947 = tpu.memref_squeeze %dma_wait3A_946 : memref<1x16xf32, #tpu.memory_space<vmem>> -> memref<16xf32, #tpu.memory_space<vmem>>
    %dma_wait3A_948 = tpu.memref_slice %arg2[%add3A_551, %multiple_of3A_549] : memref<1024x100000xf32, #tpu.memory_space<hbm>> -> memref<1x16xf32, #tpu.memory_space<hbm>>
    %dma_wait3A_949 = tpu.memref_squeeze %dma_wait3A_948 : memref<1x16xf32, #tpu.memory_space<hbm>> -> memref<16xf32, #tpu.memory_space<hbm>>
    tpu.wait_dma2 semaphore(%arg7 : memref<!tpu.dma_semaphore, #tpu.memory_space<semaphore_mem>>) src(%dma_wait3A_949 : memref<16xf32, #tpu.memory_space<hbm>>) dst(%dma_wait3A_947 : memref<16xf32, #tpu.memory_space<vmem>>)
    %dma_wait3A_950 = arith.constant 28 : i32
    %dma_wait3A_951 = arith.constant 0 : i32
    %dma_wait3A_952 = tpu.memref_slice %arg6[%dma_wait3A_950, %dma_wait3A_951] : memref<32x16xf32, #tpu.memory_space<vmem>> -> memref<1x16xf32, #tpu.memory_space<vmem>>
    %dma_wait3A_953 = tpu.memref_squeeze %dma_wait3A_952 : memref<1x16xf32, #tpu.memory_space<vmem>> -> memref<16xf32, #tpu.memory_space<vmem>>
    %dma_wait3A_954 = tpu.memref_slice %arg2[%add3A_571, %multiple_of3A_569] : memref<1024x100000xf32, #tpu.memory_space<hbm>> -> memref<1x16xf32, #tpu.memory_space<hbm>>
    %dma_wait3A_955 = tpu.memref_squeeze %dma_wait3A_954 : memref<1x16xf32, #tpu.memory_space<hbm>> -> memref<16xf32, #tpu.memory_space<hbm>>
    %dma_wait3A_956 = arith.constant 0 : i32
    %dma_wait3A_957 = tpu.memref_slice %arg6[%dma_wait3A_950, %dma_wait3A_956] : memref<32x16xf32, #tpu.memory_space<vmem>> -> memref<1x16xf32, #tpu.memory_space<vmem>>
    %dma_wait3A_958 = tpu.memref_squeeze %dma_wait3A_957 : memref<1x16xf32, #tpu.memory_space<vmem>> -> memref<16xf32, #tpu.memory_space<vmem>>
    %dma_wait3A_959 = tpu.memref_slice %arg2[%add3A_571, %multiple_of3A_569] : memref<1024x100000xf32, #tpu.memory_space<hbm>> -> memref<1x16xf32, #tpu.memory_space<hbm>>
    %dma_wait3A_960 = tpu.memref_squeeze %dma_wait3A_959 : memref<1x16xf32, #tpu.memory_space<hbm>> -> memref<16xf32, #tpu.memory_space<hbm>>
    tpu.wait_dma2 semaphore(%arg7 : memref<!tpu.dma_semaphore, #tpu.memory_space<semaphore_mem>>) src(%dma_wait3A_960 : memref<16xf32, #tpu.memory_space<hbm>>) dst(%dma_wait3A_958 : memref<16xf32, #tpu.memory_space<vmem>>)
    %dma_wait3A_961 = arith.constant 29 : i32
    %dma_wait3A_962 = arith.constant 0 : i32
    %dma_wait3A_963 = tpu.memref_slice %arg6[%dma_wait3A_961, %dma_wait3A_962] : memref<32x16xf32, #tpu.memory_space<vmem>> -> memref<1x16xf32, #tpu.memory_space<vmem>>
    %dma_wait3A_964 = tpu.memref_squeeze %dma_wait3A_963 : memref<1x16xf32, #tpu.memory_space<vmem>> -> memref<16xf32, #tpu.memory_space<vmem>>
    %dma_wait3A_965 = tpu.memref_slice %arg2[%add3A_591, %multiple_of3A_589] : memref<1024x100000xf32, #tpu.memory_space<hbm>> -> memref<1x16xf32, #tpu.memory_space<hbm>>
    %dma_wait3A_966 = tpu.memref_squeeze %dma_wait3A_965 : memref<1x16xf32, #tpu.memory_space<hbm>> -> memref<16xf32, #tpu.memory_space<hbm>>
    %dma_wait3A_967 = arith.constant 0 : i32
    %dma_wait3A_968 = tpu.memref_slice %arg6[%dma_wait3A_961, %dma_wait3A_967] : memref<32x16xf32, #tpu.memory_space<vmem>> -> memref<1x16xf32, #tpu.memory_space<vmem>>
    %dma_wait3A_969 = tpu.memref_squeeze %dma_wait3A_968 : memref<1x16xf32, #tpu.memory_space<vmem>> -> memref<16xf32, #tpu.memory_space<vmem>>
    %dma_wait3A_970 = tpu.memref_slice %arg2[%add3A_591, %multiple_of3A_589] : memref<1024x100000xf32, #tpu.memory_space<hbm>> -> memref<1x16xf32, #tpu.memory_space<hbm>>
    %dma_wait3A_971 = tpu.memref_squeeze %dma_wait3A_970 : memref<1x16xf32, #tpu.memory_space<hbm>> -> memref<16xf32, #tpu.memory_space<hbm>>
    tpu.wait_dma2 semaphore(%arg7 : memref<!tpu.dma_semaphore, #tpu.memory_space<semaphore_mem>>) src(%dma_wait3A_971 : memref<16xf32, #tpu.memory_space<hbm>>) dst(%dma_wait3A_969 : memref<16xf32, #tpu.memory_space<vmem>>)
    %dma_wait3A_972 = arith.constant 30 : i32
    %dma_wait3A_973 = arith.constant 0 : i32
    %dma_wait3A_974 = tpu.memref_slice %arg6[%dma_wait3A_972, %dma_wait3A_973] : memref<32x16xf32, #tpu.memory_space<vmem>> -> memref<1x16xf32, #tpu.memory_space<vmem>>
    %dma_wait3A_975 = tpu.memref_squeeze %dma_wait3A_974 : memref<1x16xf32, #tpu.memory_space<vmem>> -> memref<16xf32, #tpu.memory_space<vmem>>
    %dma_wait3A_976 = tpu.memref_slice %arg2[%add3A_611, %multiple_of3A_609] : memref<1024x100000xf32, #tpu.memory_space<hbm>> -> memref<1x16xf32, #tpu.memory_space<hbm>>
    %dma_wait3A_977 = tpu.memref_squeeze %dma_wait3A_976 : memref<1x16xf32, #tpu.memory_space<hbm>> -> memref<16xf32, #tpu.memory_space<hbm>>
    %dma_wait3A_978 = arith.constant 0 : i32
    %dma_wait3A_979 = tpu.memref_slice %arg6[%dma_wait3A_972, %dma_wait3A_978] : memref<32x16xf32, #tpu.memory_space<vmem>> -> memref<1x16xf32, #tpu.memory_space<vmem>>
    %dma_wait3A_980 = tpu.memref_squeeze %dma_wait3A_979 : memref<1x16xf32, #tpu.memory_space<vmem>> -> memref<16xf32, #tpu.memory_space<vmem>>
    %dma_wait3A_981 = tpu.memref_slice %arg2[%add3A_611, %multiple_of3A_609] : memref<1024x100000xf32, #tpu.memory_space<hbm>> -> memref<1x16xf32, #tpu.memory_space<hbm>>
    %dma_wait3A_982 = tpu.memref_squeeze %dma_wait3A_981 : memref<1x16xf32, #tpu.memory_space<hbm>> -> memref<16xf32, #tpu.memory_space<hbm>>
    tpu.wait_dma2 semaphore(%arg7 : memref<!tpu.dma_semaphore, #tpu.memory_space<semaphore_mem>>) src(%dma_wait3A_982 : memref<16xf32, #tpu.memory_space<hbm>>) dst(%dma_wait3A_980 : memref<16xf32, #tpu.memory_space<vmem>>)
    %dma_wait3A_983 = arith.constant 31 : i32
    %dma_wait3A_984 = arith.constant 0 : i32
    %dma_wait3A_985 = tpu.memref_slice %arg6[%dma_wait3A_983, %dma_wait3A_984] : memref<32x16xf32, #tpu.memory_space<vmem>> -> memref<1x16xf32, #tpu.memory_space<vmem>>
    %dma_wait3A_986 = tpu.memref_squeeze %dma_wait3A_985 : memref<1x16xf32, #tpu.memory_space<vmem>> -> memref<16xf32, #tpu.memory_space<vmem>>
    %dma_wait3A_987 = tpu.memref_slice %arg2[%add3A_631, %multiple_of3A_629] : memref<1024x100000xf32, #tpu.memory_space<hbm>> -> memref<1x16xf32, #tpu.memory_space<hbm>>
    %dma_wait3A_988 = tpu.memref_squeeze %dma_wait3A_987 : memref<1x16xf32, #tpu.memory_space<hbm>> -> memref<16xf32, #tpu.memory_space<hbm>>
    %dma_wait3A_989 = arith.constant 0 : i32
    %dma_wait3A_990 = tpu.memref_slice %arg6[%dma_wait3A_983, %dma_wait3A_989] : memref<32x16xf32, #tpu.memory_space<vmem>> -> memref<1x16xf32, #tpu.memory_space<vmem>>
    %dma_wait3A_991 = tpu.memref_squeeze %dma_wait3A_990 : memref<1x16xf32, #tpu.memory_space<vmem>> -> memref<16xf32, #tpu.memory_space<vmem>>
    %dma_wait3A_992 = tpu.memref_slice %arg2[%add3A_631, %multiple_of3A_629] : memref<1024x100000xf32, #tpu.memory_space<hbm>> -> memref<1x16xf32, #tpu.memory_space<hbm>>
    %dma_wait3A_993 = tpu.memref_squeeze %dma_wait3A_992 : memref<1x16xf32, #tpu.memory_space<hbm>> -> memref<16xf32, #tpu.memory_space<hbm>>
    tpu.wait_dma2 semaphore(%arg7 : memref<!tpu.dma_semaphore, #tpu.memory_space<semaphore_mem>>) src(%dma_wait3A_993 : memref<16xf32, #tpu.memory_space<hbm>>) dst(%dma_wait3A_991 : memref<16xf32, #tpu.memory_space<vmem>>)
    "tpu.region"() ({
      %run_scoped3A = tpu.sem_alloc : memref<!tpu.dma_semaphore, #tpu.memory_space<semaphore_mem>>
      %dma_start3A_994 = arith.constant 0 : i32
      %dma_start3A_995 = tpu.memref_slice %arg4[%multiple_of3A, %dma_start3A_994] : memref<1024x16xf32, #tpu.memory_space<hbm>> -> memref<32x16xf32, #tpu.memory_space<hbm>>
      %dma_start3A_996 = arith.constant 0 : i32
      %dma_start3A_997 = tpu.memref_slice %arg4[%multiple_of3A, %dma_start3A_996] : memref<1024x16xf32, #tpu.memory_space<hbm>> -> memref<32x16xf32, #tpu.memory_space<hbm>>
      tpu.enqueue_dma source(%arg6 : memref<32x16xf32, #tpu.memory_space<vmem>>) target(%dma_start3A_997 : memref<32x16xf32, #tpu.memory_space<hbm>>) target_semaphore(%run_scoped3A : memref<!tpu.dma_semaphore, #tpu.memory_space<semaphore_mem>>)
      %dma_wait3A_998 = arith.constant 0 : i32
      %dma_wait3A_999 = tpu.memref_slice %arg4[%multiple_of3A, %dma_wait3A_998] : memref<1024x16xf32, #tpu.memory_space<hbm>> -> memref<32x16xf32, #tpu.memory_space<hbm>>
      %dma_wait3A_1000 = arith.constant 0 : i32
      %dma_wait3A_1001 = tpu.memref_slice %arg4[%multiple_of3A, %dma_wait3A_1000] : memref<1024x16xf32, #tpu.memory_space<hbm>> -> memref<32x16xf32, #tpu.memory_space<hbm>>
      tpu.wait_dma2 semaphore(%run_scoped3A : memref<!tpu.dma_semaphore, #tpu.memory_space<semaphore_mem>>) src(%arg6 : memref<32x16xf32, #tpu.memory_space<vmem>>) dst(%dma_wait3A_1001 : memref<32x16xf32, #tpu.memory_space<hbm>>)
      tpu.yield
    }) : () -> ()
    return
  }
}

module attributes {stable_mosaic.version = 14 : i64} {
  func.func @_tc_body(%arg0: i32, %arg1: memref<1024x1024xf32, #tpu.memory_space<vmem>>, %arg2: memref<1024x1xi32, #tpu.memory_space<vmem>>, %arg3: memref<1024x16xf32, #tpu.memory_space<vmem>>, %arg4: memref<1024x1024xf32, #tpu.memory_space<vmem>>, %arg5: memref<1x1xf32, #tpu.memory_space<vmem>>, %arg6: memref<1024x128xf32, #tpu.memory_space<vmem>>, %arg7: memref<1024x1xf32, #tpu.memory_space<vmem>>) attributes {dimension_semantics = [#tpu.dimension_semantics<arbitrary>], iteration_bounds = array<i64: 98>, scalar_prefetch = 0 : i64, scratch_operands = 2 : i64, tpu.core_type = #tpu.core_type<tc>, window_params = [{transform_indices = @transform_0, window_bounds = array<i64: 1024, 1024>}, {pipeline_mode = #tpu.pipeline_mode<synchronous>, transform_indices = @transform_1, window_bounds = array<i64: 1024, 1>}, {pipeline_mode = #tpu.pipeline_mode<synchronous>, transform_indices = @transform_2, window_bounds = array<i64: 1024, 16>}, {transform_indices = @transform_3, window_bounds = array<i64: 1024, 1024>}, {pipeline_mode = #tpu.pipeline_mode<synchronous>, transform_indices = @transform_4, window_bounds = array<i64: 1, 1>}]} {
    %eq3A = arith.constant 0 : i32
    %eq3A_0 = arith.cmpi eq, %arg0, %eq3A : i32
    %convert_element_type3A = arith.extui %eq3A_0 : i1 to i32
    %cond3A = arith.constant 0 : i32
    %cond3A_1 = arith.cmpi ne, %convert_element_type3A, %cond3A : i32
    scf.if %cond3A_1 {
      %broadcast_in_dim3A_37 = arith.constant 0.000000e+00 : f32
      %broadcast_in_dim3A_38 = vector.broadcast %broadcast_in_dim3A_37 : f32 to vector<1024x128xf32>
      %swap3A_39 = arith.constant 0 : index
      %swap3A_40 = arith.constant 0 : index
      %swap3A_41 = vector.load %arg6[%swap3A_39, %swap3A_40] : memref<1024x128xf32, #tpu.memory_space<vmem>>, vector<1024x128xf32>
      tpu.vector_store %arg6[%swap3A_39, %swap3A_40], %broadcast_in_dim3A_38 {strides = array<i32>} : memref<1024x128xf32, #tpu.memory_space<vmem>>, vector<1024x128xf32>,
      %get3A_42 = arith.constant 0 : index
      %get3A_43 = arith.constant 0 : index
      %get3A_44 = vector.load %arg2[%get3A_42, %get3A_43] : memref<1024x1xi32, #tpu.memory_space<vmem>>, vector<1024x1xi32>
      %and3A = arith.constant 15 : i32
      %and3A_45 = vector.broadcast %and3A : i32 to vector<1024x1xi32>
      %and3A_46 = arith.andi %get3A_44, %and3A_45 : vector<1024x1xi32>
      %iota3A_47 = tpu.iota {dimensions = array<i32: 1>} : vector<1024x16xi32>
      %eq3A_48 = vector.broadcast %and3A_46 : vector<1024x1xi32> to vector<1024x16xi32>
      %eq3A_49 = arith.cmpi eq, %iota3A_47, %eq3A_48 : vector<1024x16xi32>
      %get3A_50 = arith.constant 0 : index
      %get3A_51 = arith.constant 0 : index
      %get3A_52 = vector.load %arg3[%get3A_50, %get3A_51] : memref<1024x16xf32, #tpu.memory_space<vmem>>, vector<1024x16xf32>
      %jit3A = arith.constant 0.000000e+00 : f32
      %broadcast_in_dim3A_53 = vector.broadcast %jit3A : f32 to vector<1024x16xf32>
      %select_n3A_54 = arith.select %eq3A_49, %get3A_52, %broadcast_in_dim3A_53 : vector<1024x16xi1>, vector<1024x16xf32>
      %reduce_sum3A = arith.constant dense<0.000000e+00> : vector<1024xf32>
      %reduce_sum3A_55 = vector.multi_reduction <add>, %select_n3A_54, %reduce_sum3A [1] : vector<1024x16xf32> to vector<1024xf32>
      %broadcast_in_dim3A_56 = vector.shape_cast %reduce_sum3A_55 : vector<1024xf32> to vector<1024x1xf32>
      %mul3A_57 = arith.mulf %broadcast_in_dim3A_56, %broadcast_in_dim3A_56 : vector<1024x1xf32>
      %sub3A_58 = arith.constant 1.000000e+00 : f32
      %sub3A_59 = vector.broadcast %sub3A_58 : f32 to vector<1024x1xf32>
      %sub3A_60 = arith.subf %sub3A_59, %mul3A_57 : vector<1024x1xf32>
      %max3A = arith.constant 1.000000e-07 : f32
      %max3A_61 = vector.broadcast %max3A : f32 to vector<1024x1xf32>
      %max3A_62 = arith.maximumf %sub3A_60, %max3A_61 : vector<1024x1xf32>
      %sqrt3A = math.sqrt %max3A_62 : vector<1024x1xf32>
      %mul3A_63 = arith.constant 0.87758255 : f32
      %mul3A_64 = vector.broadcast %mul3A_63 : f32 to vector<1024x1xf32>
      %mul3A_65 = arith.mulf %broadcast_in_dim3A_56, %mul3A_64 : vector<1024x1xf32>
      %mul3A_66 = arith.constant 0.47942555 : f32
      %mul3A_67 = vector.broadcast %mul3A_66 : f32 to vector<1024x1xf32>
      %mul3A_68 = arith.mulf %sqrt3A, %mul3A_67 : vector<1024x1xf32>
      %sub3A_69 = arith.subf %mul3A_65, %mul3A_68 : vector<1024x1xf32>
      %mul3A_70 = arith.constant 3.200000e+01 : f32
      %mul3A_71 = vector.broadcast %mul3A_70 : f32 to vector<1024x1xf32>
      %mul3A_72 = arith.mulf %sub3A_69, %mul3A_71 : vector<1024x1xf32>
      %swap3A_73 = arith.constant 0 : index
      %swap3A_74 = arith.constant 0 : index
      %swap3A_75 = vector.load %arg7[%swap3A_73, %swap3A_74] : memref<1024x1xf32, #tpu.memory_space<vmem>>, vector<1024x1xf32>
      tpu.vector_store %arg7[%swap3A_73, %swap3A_74], %mul3A_72 {strides = array<i32>} : memref<1024x1xf32, #tpu.memory_space<vmem>>, vector<1024x1xf32>,
    } else {
    }
    %get3A = arith.constant 0 : index
    %get3A_2 = arith.constant 0 : index
    %get3A_3 = vector.load %arg1[%get3A, %get3A_2] : memref<1024x1024xf32, #tpu.memory_space<vmem>>, vector<1024x1024xf32>
    %get3A_4 = arith.constant 0 : index
    %get3A_5 = arith.constant 0 : index
    %get3A_6 = vector.load %arg2[%get3A_4, %get3A_5] : memref<1024x1xi32, #tpu.memory_space<vmem>>, vector<1024x1xi32>
    %mul3A = arith.constant 1024 : i32
    %mul3A_7 = arith.muli %mul3A, %arg0 : i32
    %sub3A = vector.broadcast %mul3A_7 : i32 to vector<1024x1xi32>
    %sub3A_8 = arith.subi %get3A_6, %sub3A : vector<1024x1xi32>
    %iota3A = tpu.iota {dimensions = array<i32: 1>} : vector<1024x1024xi32>
    %eq3A_9 = vector.broadcast %sub3A_8 : vector<1024x1xi32> to vector<1024x1024xi32>
    %eq3A_10 = arith.cmpi eq, %iota3A, %eq3A_9 : vector<1024x1024xi32>
    %get3A_11 = arith.constant 0 : index
    %get3A_12 = arith.constant 0 : index
    %get3A_13 = vector.load %arg7[%get3A_11, %get3A_12] : memref<1024x1xf32, #tpu.memory_space<vmem>>, vector<1024x1xf32>
    %mul3A_14 = arith.constant 3.200000e+01 : f32
    %mul3A_15 = vector.broadcast %mul3A_14 : f32 to vector<1024x1024xf32>
    %mul3A_16 = arith.mulf %get3A_3, %mul3A_15 : vector<1024x1024xf32>
    %broadcast_in_dim3A = vector.shape_cast %get3A_13 : vector<1024x1xf32> to vector<1024x1xf32>
    %broadcast_in_dim3A_17 = vector.broadcast %broadcast_in_dim3A : vector<1024x1xf32> to vector<1024x1024xf32>
    %select_n3A = arith.select %eq3A_10, %broadcast_in_dim3A_17, %mul3A_16 : vector<1024x1024xi1>, vector<1024x1024xf32>
    %swap3A = arith.constant 0 : index
    %swap3A_18 = arith.constant 0 : index
    %swap3A_19 = vector.load %arg4[%swap3A, %swap3A_18] : memref<1024x1024xf32, #tpu.memory_space<vmem>>, vector<1024x1024xf32>
    tpu.vector_store %arg4[%swap3A, %swap3A_18], %select_n3A {strides = array<i32>} : memref<1024x1024xf32, #tpu.memory_space<vmem>>, vector<1024x1024xf32>,
    %sub3A_20 = arith.constant 3.200000e+01 : f32
    %sub3A_21 = vector.broadcast %sub3A_20 : f32 to vector<1024x1024xf32>
    %sub3A_22 = arith.subf %select_n3A, %sub3A_21 : vector<1024x1024xf32>
    %exp3A = math.exp %sub3A_22 : vector<1024x1024xf32>
    %lt3A = arith.constant 97 : i32
    %lt3A_23 = arith.cmpi slt, %arg0, %lt3A : i32
    %convert_element_type3A_24 = arith.extui %lt3A_23 : i1 to i32
    %cond3A_25 = arith.constant 0 : i32
    %cond3A_26 = arith.cmpi ne, %convert_element_type3A_24, %cond3A_25 : i32
    scf.if %cond3A_26 {
      %get3A_37 = arith.constant 0 : index
      %get3A_38 = arith.constant 0 : index
      %get3A_39 = vector.load %arg6[%get3A_37, %get3A_38] : memref<1024x128xf32, #tpu.memory_space<vmem>>, vector<1024x128xf32>
      %slice3A = vector.extract_strided_slice %exp3A {offsets = [0, 0], sizes = [1024, 128], strides = [1, 1]} : vector<1024x1024xf32> to vector<1024x128xf32>
      %slice3A_40 = vector.extract_strided_slice %exp3A {offsets = [0, 128], sizes = [1024, 128], strides = [1, 1]} : vector<1024x1024xf32> to vector<1024x128xf32>
      %add3A = arith.addf %slice3A, %slice3A_40 : vector<1024x128xf32>
      %slice3A_41 = vector.extract_strided_slice %exp3A {offsets = [0, 256], sizes = [1024, 128], strides = [1, 1]} : vector<1024x1024xf32> to vector<1024x128xf32>
      %add3A_42 = arith.addf %add3A, %slice3A_41 : vector<1024x128xf32>
      %slice3A_43 = vector.extract_strided_slice %exp3A {offsets = [0, 384], sizes = [1024, 128], strides = [1, 1]} : vector<1024x1024xf32> to vector<1024x128xf32>
      %add3A_44 = arith.addf %add3A_42, %slice3A_43 : vector<1024x128xf32>
      %slice3A_45 = vector.extract_strided_slice %exp3A {offsets = [0, 512], sizes = [1024, 128], strides = [1, 1]} : vector<1024x1024xf32> to vector<1024x128xf32>
      %add3A_46 = arith.addf %add3A_44, %slice3A_45 : vector<1024x128xf32>
      %slice3A_47 = vector.extract_strided_slice %exp3A {offsets = [0, 640], sizes = [1024, 128], strides = [1, 1]} : vector<1024x1024xf32> to vector<1024x128xf32>
      %add3A_48 = arith.addf %add3A_46, %slice3A_47 : vector<1024x128xf32>
      %slice3A_49 = vector.extract_strided_slice %exp3A {offsets = [0, 768], sizes = [1024, 128], strides = [1, 1]} : vector<1024x1024xf32> to vector<1024x128xf32>
      %add3A_50 = arith.addf %add3A_48, %slice3A_49 : vector<1024x128xf32>
      %slice3A_51 = vector.extract_strided_slice %exp3A {offsets = [0, 896], sizes = [1024, 128], strides = [1, 1]} : vector<1024x1024xf32> to vector<1024x128xf32>
      %add3A_52 = arith.addf %add3A_50, %slice3A_51 : vector<1024x128xf32>
      %add3A_53 = arith.addf %get3A_39, %add3A_52 : vector<1024x128xf32>
      %swap3A_54 = arith.constant 0 : index
      %swap3A_55 = arith.constant 0 : index
      %swap3A_56 = vector.load %arg6[%swap3A_54, %swap3A_55] : memref<1024x128xf32, #tpu.memory_space<vmem>>, vector<1024x128xf32>
      tpu.vector_store %arg6[%swap3A_54, %swap3A_55], %add3A_53 {strides = array<i32>} : memref<1024x128xf32, #tpu.memory_space<vmem>>, vector<1024x128xf32>,
    } else {
    }
    %eq3A_27 = arith.constant 97 : i32
    %eq3A_28 = arith.cmpi eq, %arg0, %eq3A_27 : i32
    %convert_element_type3A_29 = arith.extui %eq3A_28 : i1 to i32
    %cond3A_30 = arith.constant 0 : i32
    %cond3A_31 = arith.cmpi ne, %convert_element_type3A_29, %cond3A_30 : i32
    scf.if %cond3A_31 {
      %get3A_37 = arith.constant 0 : index
      %get3A_38 = arith.constant 0 : index
      %get3A_39 = vector.load %arg6[%get3A_37, %get3A_38] : memref<1024x128xf32, #tpu.memory_space<vmem>>, vector<1024x128xf32>
      %mul3A_40 = arith.constant 1024 : i32
      %mul3A_41 = arith.muli %mul3A_40, %arg0 : i32
      %sub3A_42 = arith.constant 100000 : i32
      %sub3A_43 = arith.subi %sub3A_42, %mul3A_41 : i32
      %lt3A_44 = vector.broadcast %sub3A_43 : i32 to vector<1024x1024xi32>
      %lt3A_45 = arith.cmpi slt, %iota3A, %lt3A_44 : vector<1024x1024xi32>
      %jit3A = arith.constant 0.000000e+00 : f32
      %broadcast_in_dim3A_46 = vector.broadcast %jit3A : f32 to vector<1024x1024xf32>
      %select_n3A_47 = arith.select %lt3A_45, %exp3A, %broadcast_in_dim3A_46 : vector<1024x1024xi1>, vector<1024x1024xf32>
      %slice3A = vector.extract_strided_slice %select_n3A_47 {offsets = [0, 0], sizes = [1024, 128], strides = [1, 1]} : vector<1024x1024xf32> to vector<1024x128xf32>
      %slice3A_48 = vector.extract_strided_slice %select_n3A_47 {offsets = [0, 128], sizes = [1024, 128], strides = [1, 1]} : vector<1024x1024xf32> to vector<1024x128xf32>
      %add3A = arith.addf %slice3A, %slice3A_48 : vector<1024x128xf32>
      %slice3A_49 = vector.extract_strided_slice %select_n3A_47 {offsets = [0, 256], sizes = [1024, 128], strides = [1, 1]} : vector<1024x1024xf32> to vector<1024x128xf32>
      %add3A_50 = arith.addf %add3A, %slice3A_49 : vector<1024x128xf32>
      %slice3A_51 = vector.extract_strided_slice %select_n3A_47 {offsets = [0, 384], sizes = [1024, 128], strides = [1, 1]} : vector<1024x1024xf32> to vector<1024x128xf32>
      %add3A_52 = arith.addf %add3A_50, %slice3A_51 : vector<1024x128xf32>
      %slice3A_53 = vector.extract_strided_slice %select_n3A_47 {offsets = [0, 512], sizes = [1024, 128], strides = [1, 1]} : vector<1024x1024xf32> to vector<1024x128xf32>
      %add3A_54 = arith.addf %add3A_52, %slice3A_53 : vector<1024x128xf32>
      %slice3A_55 = vector.extract_strided_slice %select_n3A_47 {offsets = [0, 640], sizes = [1024, 128], strides = [1, 1]} : vector<1024x1024xf32> to vector<1024x128xf32>
      %add3A_56 = arith.addf %add3A_54, %slice3A_55 : vector<1024x128xf32>
      %slice3A_57 = vector.extract_strided_slice %select_n3A_47 {offsets = [0, 768], sizes = [1024, 128], strides = [1, 1]} : vector<1024x1024xf32> to vector<1024x128xf32>
      %add3A_58 = arith.addf %add3A_56, %slice3A_57 : vector<1024x128xf32>
      %slice3A_59 = vector.extract_strided_slice %select_n3A_47 {offsets = [0, 896], sizes = [1024, 128], strides = [1, 1]} : vector<1024x1024xf32> to vector<1024x128xf32>
      %add3A_60 = arith.addf %add3A_58, %slice3A_59 : vector<1024x128xf32>
      %add3A_61 = arith.addf %get3A_39, %add3A_60 : vector<1024x128xf32>
      %swap3A_62 = arith.constant 0 : index
      %swap3A_63 = arith.constant 0 : index
      %swap3A_64 = vector.load %arg6[%swap3A_62, %swap3A_63] : memref<1024x128xf32, #tpu.memory_space<vmem>>, vector<1024x128xf32>
      tpu.vector_store %arg6[%swap3A_62, %swap3A_63], %add3A_61 {strides = array<i32>} : memref<1024x128xf32, #tpu.memory_space<vmem>>, vector<1024x128xf32>,
    } else {
    }
    %eq3A_32 = arith.constant 97 : i32
    %eq3A_33 = arith.cmpi eq, %arg0, %eq3A_32 : i32
    %convert_element_type3A_34 = arith.extui %eq3A_33 : i1 to i32
    %cond3A_35 = arith.constant 0 : i32
    %cond3A_36 = arith.cmpi ne, %convert_element_type3A_34, %cond3A_35 : i32
    scf.if %cond3A_36 {
      %get3A_37 = arith.constant 0 : index
      %get3A_38 = arith.constant 0 : index
      %get3A_39 = vector.load %arg6[%get3A_37, %get3A_38] : memref<1024x128xf32, #tpu.memory_space<vmem>>, vector<1024x128xf32>
      %reduce_sum3A = arith.constant dense<0.000000e+00> : vector<1024xf32>
      %reduce_sum3A_40 = vector.multi_reduction <add>, %get3A_39, %reduce_sum3A [1] : vector<1024x128xf32> to vector<1024xf32>
      %broadcast_in_dim3A_41 = vector.shape_cast %reduce_sum3A_40 : vector<1024xf32> to vector<1024x1xf32>
      %log3A = math.log %broadcast_in_dim3A_41 : vector<1024x1xf32>
      %add3A = arith.constant 3.200000e+01 : f32
      %add3A_42 = vector.broadcast %add3A : f32 to vector<1024x1xf32>
      %add3A_43 = arith.addf %add3A_42, %log3A : vector<1024x1xf32>
      %get3A_44 = arith.constant 0 : index
      %get3A_45 = arith.constant 0 : index
      %get3A_46 = vector.load %arg7[%get3A_44, %get3A_45] : memref<1024x1xf32, #tpu.memory_space<vmem>>, vector<1024x1xf32>
      %sub3A_47 = arith.subf %add3A_43, %get3A_46 : vector<1024x1xf32>
      %reduce_sum3A_48 = vector.shape_cast %sub3A_47 : vector<1024x1xf32> to vector<1x1024x1xf32>
      %reduce_sum3A_49 = arith.constant dense<0.000000e+00> : vector<1xf32>
      %reduce_sum3A_50 = vector.multi_reduction <add>, %reduce_sum3A_48, %reduce_sum3A_49 [1, 2] : vector<1x1024x1xf32> to vector<1xf32>
      %reduce_sum3A_51 = vector.shape_cast %reduce_sum3A_50 : vector<1xf32> to vector<1x1x1xf32>
      %reduce_sum3A_52 = vector.extract %reduce_sum3A_51[0, 0, 0] : f32 from vector<1x1x1xf32>
      %div3A = arith.constant 1.024000e+03 : f32
      %div3A_53 = arith.divf %reduce_sum3A_52, %div3A : f32
      %reshape3A = vector.broadcast %div3A_53 : f32 to vector<1x1xf32>
      %swap3A_54 = arith.constant 0 : index
      %swap3A_55 = arith.constant 0 : index
      %swap3A_56 = vector.load %arg5[%swap3A_54, %swap3A_55] : memref<1x1xf32, #tpu.memory_space<vmem>>, vector<1x1xf32>
      tpu.vector_store %arg5[%swap3A_54, %swap3A_55], %reshape3A {strides = array<i32>} : memref<1x1xf32, #tpu.memory_space<vmem>>, vector<1x1xf32>,
    } else {
    }
    return
  }
  func.func @transform_0(%arg0: i32) -> (i32, i32) {
    %c0_i32 = arith.constant 0 : i32
    %c0_i32_0 = arith.constant 0 : i32
    return %c0_i32, %arg0 : i32, i32
  }
  func.func @transform_1(%arg0: i32) -> (i32, i32) {
    %c0_i32 = arith.constant 0 : i32
    %c0_i32_0 = arith.constant 0 : i32
    %c0_i32_1 = arith.constant 0 : i32
    return %c0_i32, %c0_i32_0 : i32, i32
  }
  func.func @transform_2(%arg0: i32) -> (i32, i32) {
    %c0_i32 = arith.constant 0 : i32
    %c0_i32_0 = arith.constant 0 : i32
    %c0_i32_1 = arith.constant 0 : i32
    return %c0_i32, %c0_i32_0 : i32, i32
  }
  func.func @transform_3(%arg0: i32) -> (i32, i32) {
    %c0_i32 = arith.constant 0 : i32
    %c0_i32_0 = arith.constant 0 : i32
    return %c0_i32, %arg0 : i32, i32
  }
  func.func @transform_4(%arg0: i32) -> (i32, i32) {
    %c0_i32 = arith.constant 0 : i32
    %c0_i32_0 = arith.constant 0 : i32
    %c0_i32_1 = arith.constant 0 : i32
    return %c0_i32, %c0_i32_0 : i32, i32
  }
}

</mosaic_0001>

<sc_bundles>
// kernel: kernel.4.cloned.1.call-start
scs
__scs_entry_jumppad:
0x0: {  	(pc) =	sbr.rel $0x88, $3  }
0x1: {  	(tag) =	ssettag $0x0;
	lr =	simm.s32 $0x1  }
0x2: {  	[smem:$0x3F9F] =	sst lr;
	_ =	strace $0xD0000000  }
0x3: {  	_ = 	snop  }
0x4: {  	_ = 	snop  }
0x5: {  	_ = 	snop  }
0x6: {  	_ = 	snop  }
0x7: {  	_ = 	snop  }
__scs_overlays_trampoline_lowered:
0x8: {  	[smem:$0x3FAE] =	sst s0  }
0x9: {  	[smem:$0x3FAF] =	sst s1  }
0xa: {  	[smem:$0x3FB0] =	sst s2  }
0xb: {  	[smem:$0x3FB1] =	sst s3  }
0xc: {  	[smem:$0x3FB2] =	sst s4  }
0xd: {  	[smem:$0x3FB3] =	sst s5  }
0xe: {  	[smem:$0x3FB4] =	sst s6  }
0xf: {  	[smem:$0x3FB5] =	sst s7  }
0x10: {  	[smem:$0x3FB6] =	sst s8  }
0x11: {  	[smem:$0x3FB7] =	sst s9;
	s0 =	simm.s32 @!p0 $0x0  }
0x12: {  	s1 =	sld [smem:$0x3F9D];
	s0 =	simm.s32 @p0 $0x1  }
0x13: {  	[smem:$0x3FB8] =	sst s0;
	s0 =	simm.s32 @!p1 $0x0  }
0x14: {  	s2 =	sld [smem:$0x3F9C];
	s0 =	simm.s32 @p1 $0x1  }
0x15: {  	[smem:$0x3FB9] =	sst s0;
	s0 =	simm.s32 @!p2 $0x0  }
0x16: {  	s3 =	sld [smem:$0x3FDB];
	s0 =	simm.s32 @p2 $0x1  }
0x17: {  	s4 =	simm.s32 $0x1BF5;
	[smem:$0x3FBB] =	sst s0  }
0x18: {  	s0 =	sld [smem:$0x3F9E];
	_ =	swait.ge [sflag:s4], $0x0  }
0x19: {  	s7 =	sld [smem:$0x3F9F]  }
0x1a: {  	s8 =	sadd.s32 $0xFFFFE003, lr  }
0x1b: {  	s9 =	sadd.s32 $0xFFFFFEF7, lr;
	s5 =	simm.s32 $0xFFFFFFFF;
	p2 =	slt.u32 s8, $0xFFFFF086  }
0x1c: {  	p1 =	slt.u32 s9, $0xF7A;
	s5 =	simm.s32 @!p2 $0x0  }
0x1d: {  	s5 =	simm.s32 @p1 $0x1;
	p0 =	seq.s32 s7, s2  }
0x1e: {  	s7 =	smul.u32 @!p0 $0xF7A, s2;
	p2 =	seq.s32 @!p0 s5, $0x0  }
0x1f: {  	s9 =	smul.u32 $0xF7A, s1;
	s8 =	simm.s32 @!p0 $0x1BF5;
	p2 =	por !p2, p0  }
0x20: {  	[sflag:s8] =	ssyncset.s32 @!p0 $0xFFFFF086;
	s6 =	sadd.s32 @!p0 s3, s7;
	s7 =	simm.s32 @!p0 $0x108  }
0x21: {  	s3 =	sadd.s32 s3, s9;
	s6 =	sadd.s32 @!p0 $0x88, s6;
	s7 =	simm.s32 @p2 $0x1082  }
0x22: {  	[simem:s7], [sflag:s8] =	dma.local @!p0 [hbm:s6], $0xF7A  }
0x23: {  	s9 =	sor.u32 $0xD0000000, s2;
	s6 =	simm.s32 $0x108;
	_ =	swait.ge @!p0 [sflag:s8], $0x0  }
0x24: {  	s3 =	sadd.s32 $0x88, s3;
	s6 =	simm.s32 @!p1 $0x1082;
	[sflag:s4] =	ssyncset.s32 $0xFFFFF086  }
0x25: {  	[simem:s6], [sflag:s4] =	dma.local [hbm:s3], $0xF7A  }
0x26: {  	[smem:$0x3F9F] =	sst s1;
	(tag) =	ssettag s2;
	_ =	strace s9  }
0x27: {  	s1 =	sld [smem:$0x3FAF]  }
0x28: {  	s2 =	sld [smem:$0x3FB0]  }
0x29: {  	s4 =	sld [smem:$0x3FB2]  }
0x2a: {  	p0 =	seq.s32 s5, $0x0;
	s5 =	sld [smem:$0x3FB3]  }
0x2b: {  	s6 =	sld [smem:$0x3FB4]  }
0x2c: {  	s7 =	sld [smem:$0x3FB5]  }
0x2d: {  	s3 =	simm.s32 $0x108;
	s8 =	sld [smem:$0x3FB6]  }
0x2e: {  	s3 =	simm.s32 @!p0 $0x1082;
	s9 =	sld [smem:$0x3FB7]  }
0x2f: {  	lr =	sadd.s32 s0, s3;
	s0 =	sld [smem:$0x3FAE]  }
0x30: {  	s3 =	sld [smem:$0x3FB1]  }
0x31: {  	[smem:$0x3FBA] =	sst s10  }
0x32: {  	s10 =	sld [smem:$0x3FB8];
	_ =	sdelay $0x3  }
0x33: {  	p0 =	seq.s32 s10, $0x1;
	s10 =	sld [smem:$0x3FBA];
	_ =	sdelay $0x3  }
0x34: {  	[smem:$0x3FBA] =	sst s10  }
0x35: {  	s10 =	sld [smem:$0x3FB9];
	_ =	sdelay $0x3  }
0x36: {  	p1 =	seq.s32 s10, $0x1;
	s10 =	sld [smem:$0x3FBA];
	_ =	sdelay $0x3  }
0x37: {  	[smem:$0x3FBA] =	sst s10  }
0x38: {  	s10 =	sld [smem:$0x3FBB]  }
0x39: {  	_ = 	snop;
	(pc) =	sbr.ind lr, $3  }
0x3a: {  	_ = 	snop  }
0x3b: {  	_ = 	snop  }
0x3c: {  	p2 =	seq.s32 s10, $0x1;
	s10 =	sld [smem:$0x3FBA]  }
0x3d: {  	_ =	shalt  }
0x3e: {  	_ =	shalt  }
0x3f: {  	_ =	shalt  }
0x40: {  	_ =	shalt  }
0x41: {  	_ =	shalt  }
0x42: {  	_ =	shalt  }
0x43: {  	_ =	shalt  }
0x44: {  	_ =	shalt  }
0x45: {  	_ =	shalt  }
0x46: {  	_ =	shalt  }
0x47: {  	_ =	shalt  }
0x48: {  	_ =	shalt  }
0x49: {  	_ =	shalt  }
0x4a: {  	_ =	shalt  }
0x4b: {  	_ =	shalt  }
0x4c: {  	_ =	shalt  }
0x4d: {  	_ =	shalt  }
0x4e: {  	_ =	shalt  }
0x4f: {  	_ =	shalt  }
0x50: {  	_ =	shalt  }
0x51: {  	_ =	shalt  }
0x52: {  	_ =	shalt  }
0x53: {  	_ =	shalt  }
0x54: {  	_ =	shalt  }
0x55: {  	_ =	shalt  }
0x56: {  	_ =	shalt  }
0x57: {  	_ =	shalt  }
0x58: {  	_ =	shalt  }
0x59: {  	_ =	shalt  }
0x5a: {  	_ =	shalt  }
0x5b: {  	_ =	shalt  }
0x5c: {  	_ =	shalt  }
0x5d: {  	_ =	shalt  }
0x5e: {  	_ =	shalt  }
0x5f: {  	_ =	shalt  }
0x60: {  	_ =	shalt  }
0x61: {  	_ =	shalt  }
0x62: {  	_ =	shalt  }
0x63: {  	_ =	shalt  }
0x64: {  	_ =	shalt  }
0x65: {  	_ =	shalt  }
0x66: {  	_ =	shalt  }
0x67: {  	_ =	shalt  }
0x68: {  	_ =	shalt  }
0x69: {  	_ =	shalt  }
0x6a: {  	_ =	shalt  }
0x6b: {  	_ =	shalt  }
0x6c: {  	_ =	shalt  }
0x6d: {  	_ =	shalt  }
0x6e: {  	_ =	shalt  }
0x6f: {  	_ =	shalt  }
0x70: {  	_ =	shalt  }
0x71: {  	_ =	shalt  }
0x72: {  	_ =	shalt  }
0x73: {  	_ =	shalt  }
0x74: {  	_ =	shalt  }
0x75: {  	_ =	shalt  }
0x76: {  	_ =	shalt  }
0x77: {  	_ =	shalt  }
0x78: {  	_ =	shalt  }
0x79: {  	_ =	shalt  }
0x7a: {  	_ =	shalt  }
0x7b: {  	_ =	shalt  }
0x7c: {  	_ =	shalt  }
0x7d: {  	_ =	shalt  }
0x7e: {  	_ =	shalt  }
0x7f: {  	_ =	shalt  }
0x80: {  	_ =	shalt  }
0x81: {  	_ =	shalt  }
0x82: {  	_ =	shalt  }
0x83: {  	_ =	shalt  }
0x84: {  	_ =	shalt  }
0x85: {  	_ =	shalt  }
0x86: {  	_ =	shalt  }
0x87: {  	_ =	shalt  }
.Lfunc_end0:
.L_simem_size_0:
called_computation_lowered:
.L_overlay_start_0:
0x88: {  	s2 =	sld [smem:$0x3FD9]  }
0x89: {  	s3 =	sld [smem:$0x3FFE];
	_ =	sdelay $0x1  }
0x8a: {  	s1 =	srdreg.scid  }
0x8b: {  	s0 =	sand.u32 $0x1, s1  }
0x8c: {  	s14 =	sshll.u32 s0, $0xA;
	s2 =	sadd.s32 s3, s2  }
0x8d: {  	s2 =	sadd.s32 s2, s14  }
0x8e: {  	[smem:$0x3FC6] =	sst s2  }
0x8f: {  	_ = 	snop  }
0x90: {  	s2 =	sld [smem:$0x3FD0];
	_ =	sdelay $0x2  }
0x91: {  	s4 =	simm.s32 $0xA;
	s5 =	simm.s32 $0x10;
	s15 =	sld [smem:$0x3FC8]  }
0x92: {  	[smem:s5], [sflag:s4] =	dma.local [hbm:s2], $0x1  }
0x93: {  	_ =	swait.eq [sflag:s4], $0x1  }
0x94: {  	[sflag:s4] =	ssyncset.done $0x0  }
0x95: {  	[sflag:s4] =	ssyncadd.s32 $0xFFFFFFFF  }
0x96: {  	s16 =	sld [smem:$0x11];
	(tm) =	ssettm $0x1  }
0x97: {  	s17 =	sld [smem:$0x3FFB];
	_ =	sdelay $0x3  }
0x98: {  	_ =	strace s17  }
0x99: {  	s4 =	sld [smem:$0x3FFC];
	_ =	sdelay $0x3  }
0x9a: {  	_ =	strace s4  }
0x9b: {  	s4 =	sld [smem:$0x3FFD];
	_ =	sdelay $0x3  }
0x9c: {  	_ =	strace s4  }
0x9d: {  	_ =	strace $0x8FFFFFFF  }
0x9e: {  	s18 =	sld [smem:$0x3FDB];
	_ =	sdelay $0x1  }
0x9f: {  	s19 =	simm.s32 $_scs_section_size  }
0xa0: {  	s6 =	simm.s32 $_size__tile_overlayer_lowered;
	s7 =	simm.s32 $_tile_overlayer_lowered  }
0xa1: {  	s22 =	simm.s32 $0x1BFF;
	s21 =	sshll.u32 s7, $0x1;
	s4 =	sadd.s32 s19, s18  }
0xa2: {  	s8 =	simm.s32 $0x0;
	s20 =	sshll.u32 s6, $0x1;
	s6 =	sadd.s32 s21, s4  }
0xa3: {  	[timem:s8], [sflag:s22] =	dma.local [hbm:s6], s20  }
0xa4: {  	_ =	swait.ge [sflag:s22], s20  }
0xa5: {  	s5 =	ssub.s32 $0x0, s20;
	[sflag:s22] =	ssyncset.done $0x0  }
0xa6: {  	[sflag:s22] =	ssyncadd.s32 s5;
	_ =	sdelay $0x1  }
0xa7: {  	s23 =	simm.s32 $0x1B8B  }
0xa8: {  	_ =	swait.ge [sflag:s23], $0x1  }
0xa9: {  	[sflag:s23] =	ssyncset.done $0x0  }
0xaa: {  	s25 =	simm.s32 $0x1B8E;
	s24 =	sld [smem:$0x3FFE];
	[sflag:s23] =	ssyncadd.s32 $0xFFFFFFFF  }
0xab: {  	s26 =	simm.s32 $execute0_lowered;
	[smem:$0x3FD2] =	sst s25  }
0xac: {  	s6 =	sshll.u32 s26, $0x1;
	_ =	strace $0x80000046;
	[dreg:$0x1] =	wrdreg $0xFFFFFFFF  }
0xad: {  	s28 =	simm.s32 $_size_execute0_lowered;
	s4 =	sadd.s32 s4, s6;
	[dreg:$0x0] =	wrdreg $0x0  }
0xae: {  	s6 =	sshll.u32 s28, $0x1;
	[dreg:$0x2] =	wrdreg s4  }
0xaf: {  	[dreg:$0x3] =	wrdreg s6  }
0xb0: {  	[dreg:$0x4] =	wrdreg $0xC0  }
0xb1: {  	_ =	task [dreg:s8], $0x5FFFF  }
0xb2: {  	[dreg:$0x1] =	wrdreg $0xFFFFFFFF  }
0xb3: {  	[dreg:$0x0] =	wrdreg $0x60  }
0xb4: {  	[dreg:$0x2] =	wrdreg s24  }
0xb5: {  	[dreg:$0x3] =	wrdreg s15  }
0xb6: {  	[dreg:$0x4] =	wrdreg s16  }
0xb7: {  	[dreg:$0x5] =	wrdreg $0x9  }
0xb8: {  	_ =	task.clear_ibuf [dreg:s8], $0x6FFFF;
	_ =	strace $0x90000046  }
0xb9: {  	s29 =	simm.s32 $0x9;
	_ =	strace $0x80000048  }
0xba: {  	_ =	swait.ge [sflag:s29], $0x1  }
0xbb: {  	[sflag:s29] =	ssyncadd.s32 $0xFFFFFFFF  }
0xbc: {  	_ =	strace $0x90000048  }
0xbd: {  	_ =	sfence  }
0xbe: {  	s30 =	sld [smem:$0x0];
	_ =	sdelay $0x2  }
0xbf: {  	s31 =	sshll.u32 s1, $0xD;
	s1 =	sshrl.u32 s1, $0x2  }
0xc0: {  	s3 =	sand.u32 $0x4000, s31;
	s1 =	sadd.s32 s1, s30  }
0xc1: {  	s0 =	sor.u32 s3, s0;
	s1 =	sshll.u32 s1, $0x11  }
0xc2: {  	s0 =	sor.u32 s1, s0  }
0xc3: {  	s0 =	sadd.s32 $0x8F2B, s0  }
0xc4: {  	[sflag:s0] =	ssyncadd.remote.s32 $0x1  }
0xc5: {  	_ =	sfence.sel $0xFFFF  }
0xc6: {  	[dreg:$0x0] =	wrdreg $0xFFFFFFFF;
	(pc) =	sbr.abs _section_cstart, $3  }
0xc7: {  	[dreg:$0x1] =	wrdreg $0xFFFFFFFF  }
0xc8: {  	_ =	task.clear_ibuf [dreg:s8], $0x2FFFF;
	_ =	strace $0x9FFFFFFF  }
0xc9: {  	(tm) =	ssettm $0x7FFFFFFF  }
tec
execute0_lowered:
.L_overlay_start_1:
0x0: {  	(tag) =	ssettag $0x1  }
0x1: {  	s11 =	rddreg [dreg:$0x0]  }
0x2: {  	s3 =	rddreg [dreg:$0x1]  }
0x3: {  	s1 =	srdreg.scid;
	s5 =	rddreg [dreg:$0x2]  }
0x4: {  	s2 =	simm.s32 $0x0;
	s4 =	sand.u32 $0x1, s1;
	s1 =	rddreg [dreg:$0x3]  }
0x5: {  	s8 =	simm.s32 $0x180;
	[smem:$0x7FF] =	sst s2  }
0x6: {  	s9 =	simm.s32 $0x200;
	_ =	strace $0x80000047;
	[dreg:$0x7] =	wrdreg s8  }
0x7: {  	s10 =	simm.s32 $0x280;
	[dreg:$0x8] =	wrdreg s9  }
0x8: {  	s12 =	simm.s32 $0x300;
	[dreg:$0x9] =	wrdreg s10  }
0x9: {  	s13 =	simm.s32 $0x380;
	[dreg:$0xa] =	wrdreg s12  }
0xa: {  	s14 =	simm.s32 $0x400;
	[dreg:$0xb] =	wrdreg s13  }
0xb: {  	s15 =	simm.s32 $0x480;
	[dreg:$0xc] =	wrdreg s14  }
0xc: {  	s16 =	simm.s32 $0x500;
	[dreg:$0xd] =	wrdreg s15  }
0xd: {  	s17 =	simm.s32 $0x580;
	[dreg:$0xe] =	wrdreg s16  }
0xe: {  	s18 =	simm.s32 $0x600;
	[dreg:$0xf] =	wrdreg s17  }
0xf: {  	s19 =	simm.s32 $0x680;
	[dreg:$0x10] =	wrdreg s18  }
0x10: {  	s20 =	simm.s32 $0x700;
	[dreg:$0x11] =	wrdreg s19  }
0x11: {  	s21 =	simm.s32 $0x780;
	[dreg:$0x12] =	wrdreg s20  }
0x12: {  	s22 =	simm.s32 $0x800;
	[dreg:$0x13] =	wrdreg s21  }
0x13: {  	s23 =	simm.s32 $0x880;
	[dreg:$0x14] =	wrdreg s22  }
0x14: {  	s25 =	simm.s32 $0x900;
	[dreg:$0x15] =	wrdreg s23  }
0x15: {  	s26 =	simm.s32 $0x980;
	[dreg:$0x16] =	wrdreg s25  }
0x16: {  	s28 =	simm.s32 $0xA00;
	[dreg:$0x17] =	wrdreg s26  }
0x17: {  	s29 =	simm.s32 $0xA80;
	[dreg:$0x18] =	wrdreg s28  }
0x18: {  	s0 =	stileid.u32;
	s30 =	simm.s32 $0xD00;
	[dreg:$0x19] =	wrdreg s29  }
0x19: {  	s31 =	simm.s32 $0xF00;
	s6 =	sshll.u32 s0, $0x6;
	[dreg:$0x1e] =	wrdreg s30  }
0x1a: {  	s7 =	sshll.u32 s4, $0x5;
	s8 =	simm.s32 $0xB00;
	[smem:$0x7FB] =	sst s31  }
0x1b: {  	s4 =	ssub.s32 $0x2, s4;
	s9 =	simm.s32 $0xB80;
	[dreg:$0x1a] =	wrdreg s8  }
0x1c: {  	s10 =	simm.s32 $0xC00;
	s12 =	simm.s32 $0xC80;
	[dreg:$0x1b] =	wrdreg s9  }
0x1d: {  	s13 =	simm.s32 $0xD80;
	s14 =	simm.s32 $0xE00;
	[dreg:$0x1c] =	wrdreg s10  }
0x1e: {  	s16 =	simm.s32 $0xE80;
	s17 =	simm.s32 $0xF80;
	[dreg:$0x1d] =	wrdreg s12  }
0x1f: {  	s18 =	simm.s32 $0x1000;
	s6 =	sor.u32 s7, s6;
	[dreg:$0x1f] =	wrdreg s13  }
0x20: {  	s24 =	sshrl.u32 s4, $0x1;
	s8 =	sadd.s32 $0xA40, s11;
	[smem:$0x7F9] =	sst s14  }
0x21: {  	s9 =	sadd.s32 $0xA50, s11;
	s10 =	sadd.s32 $0xA60, s11;
	[smem:$0x7FA] =	sst s16  }
0x22: {  	s16 =	simm.s32 $0x2;
	[smem:$0x7FC] =	sst s17;
	s17 =	simm.s32 $0x80  }
0x23: {  	[smem:$0x7FD] =	sst s18;
	s18 =	simm.s32 $0x1;
	s7 =	sshrl.u32 s6, $0x3  }
0x24: {  	s6 =	sshll.u32 s6, $0x4;
	s15 =	ssub.s32 s4, s24;
	s3 =	sadd.s32 s3, s7  }
0x25: {  	s5 =	sadd.s32 s5, s6;
	s6 =	simm.s32 $0x100;
	[dreg:$0x4] =	wrdreg s3  }
0x26: {  	s4 =	smul.u32 $0xC3800, s7;
	s7 =	sadd.s32 $0xA30, s11;
	[dreg:$0x5] =	wrdreg s5  }
0x27: {  	s15 =	smax.u32 s15, $0x1;
	[dreg:$0x6] =	wrdreg s6;
	s3 =	sadd.s32 $0xA00, s11  }
0x28: {  	s5 =	sadd.s32 $0xA10, s11;
	s6 =	sadd.s32 $0xA20, s11;
	s11 =	sadd.s32 $0xA70, s11  }
0x29: {  	s12 =	sadd.s32 $0xC3800, s4;
	s13 =	sadd.s32 $0x187000, s4;
	s14 =	sadd.s32 $0x24A800, s4  }
.LBB2_1:
0x2a: {  	s19 =	rddreg [dreg:$0x4]  }
0x2b: {  	[tilespmem:s2], [sflag:$0x2] =	stream.linear.gather [hbm4b:s19+s2], $0x20, $0x38;
	[tilespmem:$0x1080] =	vst v63  }
0x2c: {  	_ =	swait.ge [sflag:s16], $0x20  }
0x2d: {  	[sflag:s16] =	ssyncset.done $0x0  }
0x2e: {  	[sflag:s16] =	ssyncadd.s32 $0xFFFFFFE0  }
0x2f: {  	v0 =	vld [tilespmem:$0x0];
	_ =	sdelay $0x4  }
0x30: {  	(v2sf) =	vpush v0, $0x0;
	_ =	sdelay $0x3  }
0x31: {  	(v2sf) =	vpush v0, $0x1;
	_ =	sdelay $0xa  }
0x32: {  	s26 =	spop (v2sf);
	(v2sf) =	vpush v0, $0x2;
	_ =	sdelay $0x3  }
0x33: {  	s28 =	spop (v2sf);
	(v2sf) =	vpush v0, $0x3;
	_ =	sdelay $0xa  }
0x34: {  	s31 =	spop (v2sf);
	(v2sf) =	vpush v0, $0x4;
	_ =	sdelay $0x3  }
0x35: {  	s23 =	spop (v2sf);
	(v2sf) =	vpush v0, $0x5  }
0x36: {  	s20 =	sshll.u32 s26, $0x3  }
0x37: {  	s20 =	sand.u32 $0xFFFFFC00, s20  }
0x38: {  	s19 =	sand.u32 $0x70, s26;
	s20 =	sadd.s32 s4, s20  }
0x39: {  	s19 =	sor.u32 s19, s20  }
0x3a: {  	s29 =	sshll.u32 s28, $0x3;
	s19 =	sshrl.u32 s19, $0x3  }
0x3b: {  	s20 =	sand.u32 $0xFFFFFC00, s29;
	s19 =	sadd.s32 s3, s19  }
0x3c: {  	[tilespmem:s17], [sflag:$0x1] =	stream.linear.gather [hbm4b:s19+s2], $0x10, $0x38;
	[tilespmem:$0x1080] =	vst v63  }
0x3d: {  	s20 =	sadd.s32 s4, s20;
	s19 =	sand.u32 $0x70, s28  }
0x3e: {  	s19 =	sor.u32 s19, s20  }
0x3f: {  	s19 =	sshrl.u32 s19, $0x3  }
0x40: {  	s30 =	rddreg [dreg:$0x6];
	s19 =	sadd.s32 s19, s5;
	s26 =	spop (v2sf);
	(v2sf) =	vpush v0, $0x6  }
0x41: {  	[tilespmem:s30], [sflag:$0x1] =	stream.linear.gather [hbm4b:s19+s2], $0x10, $0x38;
	[tilespmem:$0x1080] =	vst v63  }
0x42: {  	s21 =	sshll.u32 s31, $0x3  }
0x43: {  	s20 =	sand.u32 $0xFFFFFC00, s21  }
0x44: {  	s19 =	sand.u32 $0x70, s31;
	s20 =	sadd.s32 s4, s20;
	s30 =	spop (v2sf);
	(v2sf) =	vpush v0, $0x7  }
0x45: {  	s19 =	sor.u32 s19, s20  }
0x46: {  	s24 =	sshll.u32 s23, $0x3;
	s19 =	sshrl.u32 s19, $0x3  }
0x47: {  	s22 =	rddreg [dreg:$0x7];
	s20 =	sand.u32 $0xFFFFFC00, s24;
	s19 =	sadd.s32 s19, s6  }
0x48: {  	[tilespmem:s22], [sflag:$0x1] =	stream.linear.gather [hbm4b:s19+s2], $0x10, $0x38;
	[tilespmem:$0x1080] =	vst v63  }
0x49: {  	s20 =	sadd.s32 s4, s20;
	s19 =	sand.u32 $0x70, s23  }
0x4a: {  	s19 =	sor.u32 s19, s20  }
0x4b: {  	s19 =	sshrl.u32 s19, $0x3  }
0x4c: {  	s25 =	rddreg [dreg:$0x8];
	s19 =	sadd.s32 s19, s7  }
0x4d: {  	[tilespmem:s25], [sflag:$0x1] =	stream.linear.gather [hbm4b:s19+s2], $0x10, $0x38;
	[tilespmem:$0x1080] =	vst v63  }
0x4e: {  	s28 =	sshll.u32 s26, $0x3  }
0x4f: {  	s20 =	sand.u32 $0xFFFFFC00, s28;
	s22 =	spop (v2sf);
	(v2sf) =	vpush v0, $0x8  }
0x50: {  	s19 =	sand.u32 $0x70, s26;
	s20 =	sadd.s32 s4, s20  }
0x51: {  	s19 =	sor.u32 s19, s20  }
0x52: {  	s29 =	rddreg [dreg:$0x9];
	s31 =	sshll.u32 s30, $0x3;
	s19 =	sshrl.u32 s19, $0x3  }
0x53: {  	s20 =	sand.u32 $0xFFFFFC00, s31;
	s19 =	sadd.s32 s19, s8;
	s25 =	spop (v2sf);
	(v2sf) =	vpush v0, $0x9  }
0x54: {  	[tilespmem:s29], [sflag:$0x1] =	stream.linear.gather [hbm4b:s19+s2], $0x10, $0x38;
	[tilespmem:$0x1080] =	vst v63  }
0x55: {  	s20 =	sadd.s32 s4, s20;
	s19 =	sand.u32 $0x70, s30  }
0x56: {  	s19 =	sor.u32 s19, s20  }
0x57: {  	s19 =	sshrl.u32 s19, $0x3  }
0x58: {  	s21 =	rddreg [dreg:$0xa];
	s19 =	sadd.s32 s19, s9  }
0x59: {  	[tilespmem:s21], [sflag:$0x1] =	stream.linear.gather [hbm4b:s19+s2], $0x10, $0x38;
	[tilespmem:$0x1080] =	vst v63  }
0x5a: {  	s23 =	sshll.u32 s22, $0x3  }
0x5b: {  	s20 =	sand.u32 $0xFFFFFC00, s23  }
0x5c: {  	s19 =	sand.u32 $0x70, s22;
	s20 =	sadd.s32 s4, s20  }
0x5d: {  	s19 =	sor.u32 s19, s20  }
0x5e: {  	s26 =	sshll.u32 s25, $0x3;
	s19 =	sshrl.u32 s19, $0x3;
	s29 =	spop (v2sf);
	(v2sf) =	vpush v0, $0xA  }
0x5f: {  	s24 =	rddreg [dreg:$0xb];
	s20 =	sand.u32 $0xFFFFFC00, s26;
	s19 =	sadd.s32 s19, s10  }
0x60: {  	[tilespmem:s24], [sflag:$0x1] =	stream.linear.gather [hbm4b:s19+s2], $0x10, $0x38;
	[tilespmem:$0x1080] =	vst v63  }
0x61: {  	s20 =	sadd.s32 s4, s20;
	s19 =	sand.u32 $0x70, s25  }
0x62: {  	s19 =	sor.u32 s19, s20;
	s21 =	spop (v2sf);
	(v2sf) =	vpush v0, $0xB  }
0x63: {  	s19 =	sshrl.u32 s19, $0x3  }
0x64: {  	s28 =	rddreg [dreg:$0xc];
	s19 =	sadd.s32 s19, s11  }
0x65: {  	[tilespmem:s28], [sflag:$0x1] =	stream.linear.gather [hbm4b:s19+s2], $0x10, $0x38;
	[tilespmem:$0x1080] =	vst v63  }
0x66: {  	s30 =	sshll.u32 s29, $0x3  }
0x67: {  	s20 =	sand.u32 $0xFFFFFC00, s30  }
0x68: {  	s19 =	sand.u32 $0x70, s29;
	s20 =	sadd.s32 s12, s20  }
0x69: {  	s19 =	sor.u32 s19, s20  }
0x6a: {  	s19 =	sshrl.u32 s19, $0x3  }
0x6b: {  	s31 =	rddreg [dreg:$0xd];
	s22 =	sshll.u32 s21, $0x3;
	s19 =	sadd.s32 s3, s19  }
0x6c: {  	[tilespmem:s31], [sflag:$0x1] =	stream.linear.gather [hbm4b:s19+s2], $0x10, $0x38;
	[tilespmem:$0x1080] =	vst v63  }
0x6d: {  	s20 =	sand.u32 $0xFFFFFC00, s22;
	s24 =	spop (v2sf);
	(v2sf) =	vpush v0, $0xC  }
0x6e: {  	s20 =	sadd.s32 s12, s20;
	s19 =	sand.u32 $0x70, s21  }
0x6f: {  	s19 =	sor.u32 s19, s20  }
0x70: {  	s19 =	sshrl.u32 s19, $0x3  }
0x71: {  	s23 =	rddreg [dreg:$0xe];
	s19 =	sadd.s32 s19, s5;
	s28 =	spop (v2sf);
	(v2sf) =	vpush v0, $0xD  }
0x72: {  	[tilespmem:s23], [sflag:$0x1] =	stream.linear.gather [hbm4b:s19+s2], $0x10, $0x38;
	[tilespmem:$0x1080] =	vst v63  }
0x73: {  	s25 =	sshll.u32 s24, $0x3  }
0x74: {  	s20 =	sand.u32 $0xFFFFFC00, s25  }
0x75: {  	s19 =	sand.u32 $0x70, s24;
	s20 =	sadd.s32 s12, s20  }
0x76: {  	s19 =	sor.u32 s19, s20  }
0x77: {  	s29 =	sshll.u32 s28, $0x3;
	s19 =	sshrl.u32 s19, $0x3  }
0x78: {  	s26 =	rddreg [dreg:$0xf];
	s20 =	sand.u32 $0xFFFFFC00, s29;
	s19 =	sadd.s32 s19, s6  }
0x79: {  	[tilespmem:s26], [sflag:$0x1] =	stream.linear.gather [hbm4b:s19+s2], $0x10, $0x38;
	[tilespmem:$0x1080] =	vst v63  }
0x7a: {  	s20 =	sadd.s32 s12, s20;
	s19 =	sand.u32 $0x70, s28  }
0x7b: {  	s19 =	sor.u32 s19, s20  }
0x7c: {  	s19 =	sshrl.u32 s19, $0x3;
	s31 =	spop (v2sf);
	(v2sf) =	vpush v0, $0xE  }
0x7d: {  	s30 =	rddreg [dreg:$0x10];
	s19 =	sadd.s32 s19, s7  }
0x7e: {  	[tilespmem:s30], [sflag:$0x1] =	stream.linear.gather [hbm4b:s19+s2], $0x10, $0x38;
	[tilespmem:$0x1080] =	vst v63  }
0x7f: {  	s21 =	sshll.u32 s31, $0x3  }
0x80: {  	s23 =	spop (v2sf);
	(v2sf) =	vpush v0, $0xF;
	s20 =	sand.u32 $0xFFFFFC00, s21  }
0x81: {  	s19 =	sand.u32 $0x70, s31;
	s20 =	sadd.s32 s12, s20  }
0x82: {  	s19 =	sor.u32 s19, s20  }
0x83: {  	s24 =	sshll.u32 s23, $0x3;
	s19 =	sshrl.u32 s19, $0x3  }
0x84: {  	s22 =	rddreg [dreg:$0x11];
	s20 =	sand.u32 $0xFFFFFC00, s24;
	s19 =	sadd.s32 s19, s8  }
0x85: {  	[tilespmem:s22], [sflag:$0x1] =	stream.linear.gather [hbm4b:s19+s2], $0x10, $0x38;
	[tilespmem:$0x1080] =	vst v63  }
0x86: {  	s20 =	sadd.s32 s12, s20;
	s19 =	sand.u32 $0x70, s23  }
0x87: {  	s19 =	sor.u32 s19, s20  }
0x88: {  	s19 =	sshrl.u32 s19, $0x3  }
0x89: {  	s25 =	rddreg [dreg:$0x12];
	s19 =	sadd.s32 s19, s9  }
0x8a: {  	[tilespmem:s25], [sflag:$0x1] =	stream.linear.gather [hbm4b:s19+s2], $0x10, $0x38;
	[tilespmem:$0x1080] =	vst v63  }
0x8b: {  	s26 =	spop (v2sf)  }
0x8c: {  	s28 =	sshll.u32 s26, $0x3  }
0x8d: {  	s20 =	sand.u32 $0xFFFFFC00, s28  }
0x8e: {  	s19 =	sand.u32 $0x70, s26;
	s20 =	sadd.s32 s12, s20  }
0x8f: {  	s30 =	spop (v2sf);
	s19 =	sor.u32 s19, s20  }
0x90: {  	s31 =	sshll.u32 s30, $0x3;
	s19 =	sshrl.u32 s19, $0x3  }
0x91: {  	s29 =	rddreg [dreg:$0x13];
	s20 =	sand.u32 $0xFFFFFC00, s31;
	s19 =	sadd.s32 s19, s10  }
0x92: {  	[tilespmem:s29], [sflag:$0x1] =	stream.linear.gather [hbm4b:s19+s2], $0x10, $0x38;
	[tilespmem:$0x1080] =	vst v63  }
0x93: {  	s20 =	sadd.s32 s12, s20;
	s19 =	sand.u32 $0x70, s30  }
0x94: {  	s19 =	sor.u32 s19, s20  }
0x95: {  	s19 =	sshrl.u32 s19, $0x3  }
0x96: {  	s21 =	rddreg [dreg:$0x14];
	s19 =	sadd.s32 s19, s11  }
0x97: {  	[tilespmem:s21], [sflag:$0x1] =	stream.linear.gather [hbm4b:s19+s2], $0x10, $0x38;
	[tilespmem:$0x1080] =	vst v63  }
0x98: {  	v63 =	vld [tilespmem:$0x10];
	_ =	sdelay $0x4  }
0x99: {  	(v2sf) =	vpush v63, $0x0;
	_ =	sdelay $0x3  }
0x9a: {  	(v2sf) =	vpush v63, $0x1;
	_ =	sdelay $0xa  }
0x9b: {  	s22 =	spop (v2sf);
	(v2sf) =	vpush v63, $0x2;
	_ =	sdelay $0x3  }
0x9c: {  	s25 =	spop (v2sf);
	(v2sf) =	vpush v63, $0x3;
	_ =	sdelay $0xa  }
0x9d: {  	s29 =	spop (v2sf);
	(v2sf) =	vpush v63, $0x4;
	_ =	sdelay $0x3  }
0x9e: {  	s21 =	spop (v2sf);
	(v2sf) =	vpush v63, $0x5  }
0x9f: {  	s23 =	sshll.u32 s22, $0x3  }
0xa0: {  	s20 =	sand.u32 $0xFFFFFC00, s23  }
0xa1: {  	s19 =	sand.u32 $0x70, s22;
	s20 =	sadd.s32 s13, s20  }
0xa2: {  	s19 =	sor.u32 s19, s20  }
0xa3: {  	s26 =	sshll.u32 s25, $0x3;
	s19 =	sshrl.u32 s19, $0x3  }
0xa4: {  	s24 =	rddreg [dreg:$0x15];
	s20 =	sand.u32 $0xFFFFFC00, s26;
	s19 =	sadd.s32 s3, s19  }
0xa5: {  	[tilespmem:s24], [sflag:$0x1] =	stream.linear.gather [hbm4b:s19+s2], $0x10, $0x38;
	[tilespmem:$0x1080] =	vst v63  }
0xa6: {  	s20 =	sadd.s32 s13, s20;
	s19 =	sand.u32 $0x70, s25  }
0xa7: {  	s19 =	sor.u32 s19, s20  }
0xa8: {  	s19 =	sshrl.u32 s19, $0x3  }
0xa9: {  	s28 =	rddreg [dreg:$0x16];
	s19 =	sadd.s32 s19, s5;
	s24 =	spop (v2sf);
	(v2sf) =	vpush v63, $0x6  }
0xaa: {  	[tilespmem:s28], [sflag:$0x1] =	stream.linear.gather [hbm4b:s19+s2], $0x10, $0x38;
	[tilespmem:$0x1080] =	vst v63  }
0xab: {  	s30 =	sshll.u32 s29, $0x3  }
0xac: {  	s20 =	sand.u32 $0xFFFFFC00, s30  }
0xad: {  	s19 =	sand.u32 $0x70, s29;
	s20 =	sadd.s32 s13, s20;
	s28 =	spop (v2sf);
	(v2sf) =	vpush v63, $0x7  }
0xae: {  	s19 =	sor.u32 s19, s20  }
0xaf: {  	s22 =	sshll.u32 s21, $0x3;
	s19 =	sshrl.u32 s19, $0x3  }
0xb0: {  	s31 =	rddreg [dreg:$0x17];
	s20 =	sand.u32 $0xFFFFFC00, s22;
	s19 =	sadd.s32 s19, s6  }
0xb1: {  	[tilespmem:s31], [sflag:$0x1] =	stream.linear.gather [hbm4b:s19+s2], $0x10, $0x38;
	[tilespmem:$0x1080] =	vst v63  }
0xb2: {  	s20 =	sadd.s32 s13, s20;
	s19 =	sand.u32 $0x70, s21  }
0xb3: {  	s19 =	sor.u32 s19, s20  }
0xb4: {  	s19 =	sshrl.u32 s19, $0x3  }
0xb5: {  	s23 =	rddreg [dreg:$0x18];
	s19 =	sadd.s32 s19, s7  }
0xb6: {  	[tilespmem:s23], [sflag:$0x1] =	stream.linear.gather [hbm4b:s19+s2], $0x10, $0x38;
	[tilespmem:$0x1080] =	vst v63  }
0xb7: {  	s25 =	sshll.u32 s24, $0x3  }
0xb8: {  	s20 =	sand.u32 $0xFFFFFC00, s25;
	s31 =	spop (v2sf);
	(v2sf) =	vpush v63, $0x8  }
0xb9: {  	s19 =	sand.u32 $0x70, s24;
	s20 =	sadd.s32 s13, s20  }
0xba: {  	s19 =	sor.u32 s19, s20  }
0xbb: {  	s26 =	rddreg [dreg:$0x19];
	s29 =	sshll.u32 s28, $0x3;
	s19 =	sshrl.u32 s19, $0x3  }
0xbc: {  	s20 =	sand.u32 $0xFFFFFC00, s29;
	s19 =	sadd.s32 s19, s8;
	s23 =	spop (v2sf);
	(v2sf) =	vpush v63, $0x9  }
0xbd: {  	[tilespmem:s26], [sflag:$0x1] =	stream.linear.gather [hbm4b:s19+s2], $0x10, $0x38;
	[tilespmem:$0x1080] =	vst v63  }
0xbe: {  	s20 =	sadd.s32 s13, s20;
	s19 =	sand.u32 $0x70, s28  }
0xbf: {  	s19 =	sor.u32 s19, s20  }
0xc0: {  	s19 =	sshrl.u32 s19, $0x3  }
0xc1: {  	s30 =	rddreg [dreg:$0x1a];
	s19 =	sadd.s32 s19, s9  }
0xc2: {  	[tilespmem:s30], [sflag:$0x1] =	stream.linear.gather [hbm4b:s19+s2], $0x10, $0x38;
	[tilespmem:$0x1080] =	vst v63  }
0xc3: {  	s21 =	sshll.u32 s31, $0x3  }
0xc4: {  	s20 =	sand.u32 $0xFFFFFC00, s21  }
0xc5: {  	s19 =	sand.u32 $0x70, s31;
	s20 =	sadd.s32 s13, s20  }
0xc6: {  	s19 =	sor.u32 s19, s20  }
0xc7: {  	s24 =	sshll.u32 s23, $0x3;
	s19 =	sshrl.u32 s19, $0x3;
	s26 =	spop (v2sf);
	(v2sf) =	vpush v63, $0xA  }
0xc8: {  	s22 =	rddreg [dreg:$0x1b];
	s20 =	sand.u32 $0xFFFFFC00, s24;
	s19 =	sadd.s32 s19, s10  }
0xc9: {  	[tilespmem:s22], [sflag:$0x1] =	stream.linear.gather [hbm4b:s19+s2], $0x10, $0x38;
	[tilespmem:$0x1080] =	vst v63  }
0xca: {  	s20 =	sadd.s32 s13, s20;
	s19 =	sand.u32 $0x70, s23  }
0xcb: {  	s19 =	sor.u32 s19, s20;
	s30 =	spop (v2sf);
	(v2sf) =	vpush v63, $0xB  }
0xcc: {  	s19 =	sshrl.u32 s19, $0x3  }
0xcd: {  	s25 =	rddreg [dreg:$0x1c];
	s19 =	sadd.s32 s19, s11  }
0xce: {  	[tilespmem:s25], [sflag:$0x1] =	stream.linear.gather [hbm4b:s19+s2], $0x10, $0x38;
	[tilespmem:$0x1080] =	vst v63  }
0xcf: {  	s28 =	sshll.u32 s26, $0x3  }
0xd0: {  	s20 =	sand.u32 $0xFFFFFC00, s28  }
0xd1: {  	s19 =	sand.u32 $0x70, s26;
	s20 =	sadd.s32 s14, s20  }
0xd2: {  	s19 =	sor.u32 s19, s20  }
0xd3: {  	s19 =	sshrl.u32 s19, $0x3  }
0xd4: {  	s29 =	rddreg [dreg:$0x1d];
	s31 =	sshll.u32 s30, $0x3;
	s19 =	sadd.s32 s3, s19  }
0xd5: {  	[tilespmem:s29], [sflag:$0x1] =	stream.linear.gather [hbm4b:s19+s2], $0x10, $0x38;
	[tilespmem:$0x1080] =	vst v63  }
0xd6: {  	s20 =	sand.u32 $0xFFFFFC00, s31;
	s22 =	spop (v2sf);
	(v2sf) =	vpush v63, $0xC  }
0xd7: {  	s20 =	sadd.s32 s14, s20;
	s19 =	sand.u32 $0x70, s30  }
0xd8: {  	s19 =	sor.u32 s19, s20  }
0xd9: {  	s19 =	sshrl.u32 s19, $0x3  }
0xda: {  	s21 =	rddreg [dreg:$0x1e];
	s19 =	sadd.s32 s19, s5;
	s25 =	spop (v2sf);
	(v2sf) =	vpush v63, $0xD  }
0xdb: {  	[tilespmem:s21], [sflag:$0x1] =	stream.linear.gather [hbm4b:s19+s2], $0x10, $0x38;
	[tilespmem:$0x1080] =	vst v63  }
0xdc: {  	s23 =	sshll.u32 s22, $0x3  }
0xdd: {  	s20 =	sand.u32 $0xFFFFFC00, s23  }
0xde: {  	s19 =	sand.u32 $0x70, s22;
	s20 =	sadd.s32 s14, s20  }
0xdf: {  	s19 =	sor.u32 s19, s20  }
0xe0: {  	s26 =	sshll.u32 s25, $0x3;
	s19 =	sshrl.u32 s19, $0x3  }
0xe1: {  	s24 =	rddreg [dreg:$0x1f];
	s20 =	sand.u32 $0xFFFFFC00, s26;
	s19 =	sadd.s32 s19, s6  }
0xe2: {  	[tilespmem:s24], [sflag:$0x1] =	stream.linear.gather [hbm4b:s19+s2], $0x10, $0x38;
	[tilespmem:$0x1080] =	vst v63  }
0xe3: {  	s20 =	sadd.s32 s14, s20;
	s19 =	sand.u32 $0x70, s25  }
0xe4: {  	s28 =	sld [smem:$0x7F9];
	s19 =	sor.u32 s19, s20  }
0xe5: {  	s19 =	sshrl.u32 s19, $0x3;
	s29 =	spop (v2sf);
	(v2sf) =	vpush v63, $0xE  }
0xe6: {  	s19 =	sadd.s32 s19, s7  }
0xe7: {  	[tilespmem:s28], [sflag:$0x1] =	stream.linear.gather [hbm4b:s19+s2], $0x10, $0x38;
	[tilespmem:$0x1080] =	vst v63  }
0xe8: {  	s30 =	sshll.u32 s29, $0x3  }
0xe9: {  	s21 =	spop (v2sf);
	(v2sf) =	vpush v63, $0xF;
	s20 =	sand.u32 $0xFFFFFC00, s30  }
0xea: {  	s19 =	sand.u32 $0x70, s29;
	s20 =	sadd.s32 s14, s20  }
0xeb: {  	s31 =	sld [smem:$0x7FA];
	s19 =	sor.u32 s19, s20  }
0xec: {  	s22 =	sshll.u32 s21, $0x3;
	s19 =	sshrl.u32 s19, $0x3  }
0xed: {  	s20 =	sand.u32 $0xFFFFFC00, s22;
	s19 =	sadd.s32 s19, s8  }
0xee: {  	[tilespmem:s31], [sflag:$0x1] =	stream.linear.gather [hbm4b:s19+s2], $0x10, $0x38;
	[tilespmem:$0x1080] =	vst v63  }
0xef: {  	s20 =	sadd.s32 s14, s20;
	s19 =	sand.u32 $0x70, s21  }
0xf0: {  	s23 =	sld [smem:$0x7FB];
	s19 =	sor.u32 s19, s20  }
0xf1: {  	s19 =	sshrl.u32 s19, $0x3  }
0xf2: {  	s19 =	sadd.s32 s19, s9  }
0xf3: {  	[tilespmem:s23], [sflag:$0x1] =	stream.linear.gather [hbm4b:s19+s2], $0x10, $0x38;
	[tilespmem:$0x1080] =	vst v63  }
0xf4: {  	s24 =	spop (v2sf)  }
0xf5: {  	s25 =	sshll.u32 s24, $0x3  }
0xf6: {  	s20 =	sand.u32 $0xFFFFFC00, s25  }
0xf7: {  	s19 =	sand.u32 $0x70, s24;
	s20 =	sadd.s32 s14, s20  }
0xf8: {  	s26 =	sld [smem:$0x7FC];
	s28 =	spop (v2sf);
	s19 =	sor.u32 s19, s20  }
0xf9: {  	s29 =	sshll.u32 s28, $0x3;
	s19 =	sshrl.u32 s19, $0x3  }
0xfa: {  	s20 =	sand.u32 $0xFFFFFC00, s29;
	s19 =	sadd.s32 s19, s10  }
0xfb: {  	[tilespmem:s26], [sflag:$0x1] =	stream.linear.gather [hbm4b:s19+s2], $0x10, $0x38;
	[tilespmem:$0x1080] =	vst v63  }
0xfc: {  	s20 =	sadd.s32 s14, s20;
	s19 =	sand.u32 $0x70, s28  }
0xfd: {  	s30 =	sld [smem:$0x7FD];
	s19 =	sor.u32 s19, s20  }
0xfe: {  	s19 =	sshrl.u32 s19, $0x3  }
0xff: {  	s19 =	sadd.s32 s19, s11  }
0x100: {  	[tilespmem:s30], [sflag:$0x1] =	stream.linear.gather [hbm4b:s19+s2], $0x10, $0x38;
	[tilespmem:$0x1080] =	vst v63  }
0x101: {  	_ =	swait.ge [sflag:s18], $0x10  }
0x102: {  	[sflag:s18] =	ssyncset.done $0x0  }
0x103: {  	[sflag:s18] =	ssyncadd.s32 $0xFFFFFFF0  }
0x104: {  	_ =	swait.ge [sflag:s18], $0x10  }
0x105: {  	[sflag:s18] =	ssyncset.done $0x0  }
0x106: {  	[sflag:s18] =	ssyncadd.s32 $0xFFFFFFF0  }
0x107: {  	_ =	swait.ge [sflag:s18], $0x10  }
0x108: {  	[sflag:s18] =	ssyncset.done $0x0  }
0x109: {  	[sflag:s18] =	ssyncadd.s32 $0xFFFFFFF0  }
0x10a: {  	_ =	swait.ge [sflag:s18], $0x10  }
0x10b: {  	[sflag:s18] =	ssyncset.done $0x0  }
0x10c: {  	[sflag:s18] =	ssyncadd.s32 $0xFFFFFFF0  }
0x10d: {  	_ =	swait.ge [sflag:s18], $0x10  }
0x10e: {  	[sflag:s18] =	ssyncset.done $0x0  }
0x10f: {  	[sflag:s18] =	ssyncadd.s32 $0xFFFFFFF0  }
0x110: {  	_ =	swait.ge [sflag:s18], $0x10  }
0x111: {  	[sflag:s18] =	ssyncset.done $0x0  }
0x112: {  	[sflag:s18] =	ssyncadd.s32 $0xFFFFFFF0  }
0x113: {  	_ =	swait.ge [sflag:s18], $0x10  }
0x114: {  	[sflag:s18] =	ssyncset.done $0x0  }
0x115: {  	[sflag:s18] =	ssyncadd.s32 $0xFFFFFFF0  }
0x116: {  	_ =	swait.ge [sflag:s18], $0x10  }
0x117: {  	[sflag:s18] =	ssyncset.done $0x0  }
0x118: {  	[sflag:s18] =	ssyncadd.s32 $0xFFFFFFF0  }
0x119: {  	_ =	swait.ge [sflag:s18], $0x10  }
0x11a: {  	[sflag:s18] =	ssyncset.done $0x0  }
0x11b: {  	[sflag:s18] =	ssyncadd.s32 $0xFFFFFFF0  }
0x11c: {  	_ =	swait.ge [sflag:s18], $0x10  }
0x11d: {  	[sflag:s18] =	ssyncset.done $0x0  }
0x11e: {  	[sflag:s18] =	ssyncadd.s32 $0xFFFFFFF0  }
0x11f: {  	_ =	swait.ge [sflag:s18], $0x10  }
0x120: {  	[sflag:s18] =	ssyncset.done $0x0  }
0x121: {  	[sflag:s18] =	ssyncadd.s32 $0xFFFFFFF0  }
0x122: {  	_ =	swait.ge [sflag:s18], $0x10  }
0x123: {  	[sflag:s18] =	ssyncset.done $0x0  }
0x124: {  	[sflag:s18] =	ssyncadd.s32 $0xFFFFFFF0  }
0x125: {  	_ =	swait.ge [sflag:s18], $0x10  }
0x126: {  	[sflag:s18] =	ssyncset.done $0x0  }
0x127: {  	[sflag:s18] =	ssyncadd.s32 $0xFFFFFFF0  }
0x128: {  	_ =	swait.ge [sflag:s18], $0x10  }
0x129: {  	[sflag:s18] =	ssyncset.done $0x0  }
0x12a: {  	[sflag:s18] =	ssyncadd.s32 $0xFFFFFFF0  }
0x12b: {  	_ =	swait.ge [sflag:s18], $0x10  }
0x12c: {  	[sflag:s18] =	ssyncset.done $0x0  }
0x12d: {  	[sflag:s18] =	ssyncadd.s32 $0xFFFFFFF0  }
0x12e: {  	_ =	swait.ge [sflag:s18], $0x10  }
0x12f: {  	[sflag:s18] =	ssyncset.done $0x0  }
0x130: {  	[sflag:s18] =	ssyncadd.s32 $0xFFFFFFF0  }
0x131: {  	_ =	swait.ge [sflag:s18], $0x10  }
0x132: {  	[sflag:s18] =	ssyncset.done $0x0  }
0x133: {  	[sflag:s18] =	ssyncadd.s32 $0xFFFFFFF0  }
0x134: {  	_ =	swait.ge [sflag:s18], $0x10  }
0x135: {  	[sflag:s18] =	ssyncset.done $0x0  }
0x136: {  	[sflag:s18] =	ssyncadd.s32 $0xFFFFFFF0  }
0x137: {  	_ =	swait.ge [sflag:s18], $0x10  }
0x138: {  	[sflag:s18] =	ssyncset.done $0x0  }
0x139: {  	[sflag:s18] =	ssyncadd.s32 $0xFFFFFFF0  }
0x13a: {  	_ =	swait.ge [sflag:s18], $0x10  }
0x13b: {  	[sflag:s18] =	ssyncset.done $0x0  }
0x13c: {  	[sflag:s18] =	ssyncadd.s32 $0xFFFFFFF0  }
0x13d: {  	_ =	swait.ge [sflag:s18], $0x10  }
0x13e: {  	[sflag:s18] =	ssyncset.done $0x0  }
0x13f: {  	[sflag:s18] =	ssyncadd.s32 $0xFFFFFFF0  }
0x140: {  	_ =	swait.ge [sflag:s18], $0x10  }
0x141: {  	[sflag:s18] =	ssyncset.done $0x0  }
0x142: {  	[sflag:s18] =	ssyncadd.s32 $0xFFFFFFF0  }
0x143: {  	_ =	swait.ge [sflag:s18], $0x10  }
0x144: {  	[sflag:s18] =	ssyncset.done $0x0  }
0x145: {  	[sflag:s18] =	ssyncadd.s32 $0xFFFFFFF0  }
0x146: {  	_ =	swait.ge [sflag:s18], $0x10  }
0x147: {  	[sflag:s18] =	ssyncset.done $0x0  }
0x148: {  	[sflag:s18] =	ssyncadd.s32 $0xFFFFFFF0  }
0x149: {  	_ =	swait.ge [sflag:s18], $0x10  }
0x14a: {  	[sflag:s18] =	ssyncset.done $0x0  }
0x14b: {  	[sflag:s18] =	ssyncadd.s32 $0xFFFFFFF0  }
0x14c: {  	_ =	swait.ge [sflag:s18], $0x10  }
0x14d: {  	[sflag:s18] =	ssyncset.done $0x0  }
0x14e: {  	[sflag:s18] =	ssyncadd.s32 $0xFFFFFFF0  }
0x14f: {  	_ =	swait.ge [sflag:s18], $0x10  }
0x150: {  	[sflag:s18] =	ssyncset.done $0x0  }
0x151: {  	[sflag:s18] =	ssyncadd.s32 $0xFFFFFFF0  }
0x152: {  	_ =	swait.ge [sflag:s18], $0x10  }
0x153: {  	[sflag:s18] =	ssyncset.done $0x0  }
0x154: {  	[sflag:s18] =	ssyncadd.s32 $0xFFFFFFF0  }
0x155: {  	_ =	swait.ge [sflag:s18], $0x10  }
0x156: {  	[sflag:s18] =	ssyncset.done $0x0  }
0x157: {  	[sflag:s18] =	ssyncadd.s32 $0xFFFFFFF0  }
0x158: {  	_ =	swait.ge [sflag:s18], $0x10  }
0x159: {  	[sflag:s18] =	ssyncset.done $0x0  }
0x15a: {  	[sflag:s18] =	ssyncadd.s32 $0xFFFFFFF0  }
0x15b: {  	_ =	swait.ge [sflag:s18], $0x10  }
0x15c: {  	[sflag:s18] =	ssyncset.done $0x0  }
0x15d: {  	[sflag:s18] =	ssyncadd.s32 $0xFFFFFFF0  }
0x15e: {  	_ =	swait.ge [sflag:s18], $0x10  }
0x15f: {  	p0 =	sne.s32 s15, $0x1;
	[sflag:s18] =	ssyncset.done $0x0  }
.Ltmp0:
0x160: {  	s31 =	rddreg [dreg:$0x5];
	[sflag:s18] =	ssyncadd.s32 $0xFFFFFFF0;
	(pc) =	sbr.rel @p0 .LBB2_1-.Ltmp0, $4  }
0x161: {  	[hbm4b:s31+s2] =	stream.linear.scatter [tilespmem:s17], [sflag:$0x2], $0x1000, $0x38;
	[tilespmem:$0x1080] =	vst v63  }
0x162: {  	_ =	swait.ge [sflag:s16], $0x1000  }
0x163: {  	[sflag:s16] =	ssyncset.done $0x0  }
0x164: {  	s15 =	sadd.s32 $0xFFFFFFFF, s15;
	[sflag:s16] =	ssyncadd.s32 $0xFFFFF000  }
0x165: {  	_ =	sfence.sel $0x180000  }
0x166: {  	[bflag:$0x0] =	sbarrier.arrive $0xFFFF  }
0x167: {  	p0 =	sne.s32 s0, $0x0;
	_ =	strace $0x90000047  }
0x168: {  	s0 =	sadd.s32 @!p0 $0x100000, s1;
	[bflag:$0x2] =	sbarrier.arrive $0xFFFF  }
0x169: {  	[sflag:s0] =	ssyncadd.tile.s32 @!p0 $0x1;
	_ =	shalt  }
.Lfunc_end2:
_tile_overlayer_lowered:
.L_overlay_start_2:
0x16a: {  	(tag) =	ssettag $0x2  }
0x16b: {  	s0 =	rddreg [dreg:$0x0];
	s2 =	stileid.u32  }
0x16c: {  	s1 =	rddreg [dreg:$0x1];
	p0 =	sne.s32 s2, $0x0  }
0x16d: {  	s3 =	rddreg [dreg:$0x2];
	[bflag:$0x3] =	sbarrier.arrive $0xFFFF;
	s2 =	simm.s32 @!p0 $0x1C02  }
0x16e: {  	[timem:s3], [sflag:s2] =	dma.local @!p0 [hbm:s0], s1  }
0x16f: {  	s0 =	simm.s32 @!p0 $0x2  }
0x170: {  	_ =	swait.ge @!p0 [sflag:s0], s1  }
0x171: {  	s1 =	ssub.s32 @!p0 $0x0, s1;
	[sflag:s0] =	ssyncset.done @!p0 $0x0  }
0x172: {  	[sflag:s0] =	ssyncadd.s32 @!p0 s1  }
0x173: {  	[bflag:$0x3] =	sbarrier.arrive $0xFFFF  }
0x174: {  	_ =	shalt  }

</sc_bundles>
